<compile_context>
chip_gen: v7x
topology: tpu7x:2x2x1
jax: 0.10.2.dev20260603
libtpu: 0.0.44.dev20260713+nightly
codegen_flags: <defaults>
</compile_context>

<pallas_src>
import functools

import jax
import jax.numpy as jnp
from jax import lax
from jax.experimental import pallas as pl
from jax.experimental.pallas import tpu as pltpu
from jax.experimental.pallas import tpu_sc as plsc

N = 10000
E = 160000
IN_DIM = 256
HID = 128
OUT_DIM = 64
NG = 16

NC, NS = 2, 16
NW = NC * NS
CH = 80
KCH = 64
EPAD = NW * KCH * CH
ROWS = 10240
RPT = ROWS // NS
USZ = ROWS * NG
UPT = USZ // NS
ZCH = 512

TM = 1280
GRID = ROWS // TM

_sc_mesh = plsc.VectorSubcoreMesh(core_axis_name="c", subcore_axis_name="s")
_sc_params = pltpu.CompilerParams(needs_layout_passes=False)


@functools.partial(
    pl.kernel,
    out_type=jax.ShapeDtypeStruct((NC, ROWS), jnp.float32),
    mesh=_sc_mesh,
    scratch_types=[
        pltpu.VMEM((KCH, CH), jnp.int32),
        pltpu.VMEM((CH,), jnp.float32),
        pltpu.VMEM_SHARED((ROWS,), jnp.float32),
    ],
)
def _sc_degree(dst_hbm, ones_hbm, zeros_hbm, deg_out, idx_v, ones_v, deg_sh):
    cid = lax.axis_index("c")
    sid = lax.axis_index("s")
    w = sid * NC + cid
    pltpu.sync_copy(zeros_hbm.at[pl.ds(0, RPT)], deg_sh.at[pl.ds(sid * RPT, RPT)])
    pltpu.sync_copy(ones_hbm, ones_v)
    pltpu.sync_copy(dst_hbm.at[w], idx_v)
    plsc.subcore_barrier()

    def body(j, carry):
        pltpu.sync_copy(ones_v, deg_sh.at[idx_v.at[j]], add=True)
        return carry

    lax.fori_loop(0, KCH, body, 0)
    plsc.subcore_barrier()
    pltpu.sync_copy(deg_sh.at[pl.ds(sid * RPT, RPT)],
                    deg_out.at[cid, pl.ds(sid * RPT, RPT)])


@functools.partial(
    pl.kernel,
    out_type=(jax.ShapeDtypeStruct((NC, ROWS, HID), jnp.float32),
              jax.ShapeDtypeStruct((NC, USZ), jnp.float32)),
    mesh=_sc_mesh,
    scratch_types=[
        pltpu.VMEM((KCH, CH), jnp.int32),
        pltpu.VMEM((KCH, CH), jnp.int32),
        pltpu.VMEM((CH, HID), jnp.float32),
        pltpu.VMEM((CH, HID), jnp.float32),
        pltpu.VMEM((CH,), jnp.float32),
        pltpu.VMEM((CH,), jnp.float32),
        pltpu.VMEM((CH,), jnp.int32),
        pltpu.VMEM((CH,), jnp.int32),
        pltpu.VMEM((CH,), jnp.int32),
        pltpu.VMEM((CH,), jnp.int32),
        pltpu.VMEM((ZCH,), jnp.float32),
        pltpu.VMEM_SHARED((ROWS, HID), jnp.float32),
        pltpu.VMEM_SHARED((USZ,), jnp.float32),
        pltpu.SemaphoreType.DMA,
        pltpu.SemaphoreType.DMA,
        pltpu.SemaphoreType.DMA,
        pltpu.SemaphoreType.DMA,
    ],
    compiler_params=_sc_params,
)
def _sc_edges(src_hbm, dst_hbm, g_hbm, dinv_hbm, batch_hbm,
              acc_out, u_out,
              src_v, dst_v, rows0_v, rows1_v, dd0_v, dd1_v, bd0_v, bd1_v,
              uidx0_v, uidx1_v, zbuf_v, acc_sh, u_sh,
              gsem0, gsem1, usem0, usem1):
    cid = lax.axis_index("c")
    sid = lax.axis_index("s")
    w = sid * NC + cid

    zv = jnp.zeros((16,), jnp.float32)

    def zrow(r, carry):
        for i in range(HID // 16):
            rows0_v[r, pl.ds(i * 16, 16)] = zv
        return carry

    lax.fori_loop(0, CH, zrow, 0)

    def zflat(k, carry):
        zbuf_v[pl.ds(k * 16, 16)] = zv
        return carry

    lax.fori_loop(0, ZCH // 16, zflat, 0)

    for k in range(RPT // CH):
        pltpu.async_copy(rows0_v, acc_sh.at[pl.ds(sid * RPT + k * CH, CH)], gsem0)
    for k in range(UPT // ZCH):
        pltpu.async_copy(zbuf_v, u_sh.at[pl.ds(sid * UPT + k * ZCH, ZCH)], gsem1)
    pltpu.async_copy(src_hbm.at[w], src_v, usem0)
    pltpu.async_copy(dst_hbm.at[w], dst_v, usem1)
    for k in range(RPT // CH):
        pltpu.make_async_copy(
            rows0_v, acc_sh.at[pl.ds(sid * RPT + k * CH, CH)], gsem0).wait()
    for k in range(UPT // ZCH):
        pltpu.make_async_copy(
            zbuf_v, u_sh.at[pl.ds(sid * UPT + k * ZCH, ZCH)], gsem1).wait()
    pltpu.make_async_copy(src_hbm.at[w], src_v, usem0).wait()
    pltpu.make_async_copy(dst_hbm.at[w], dst_v, usem1).wait()
    plsc.subcore_barrier()

    def issue(j, rows_v, dd_v, bd_v, gsem, usem):
        pltpu.async_copy(g_hbm.at[src_v.at[j]], rows_v, gsem)
        pltpu.async_copy(dinv_hbm.at[dst_v.at[j]], dd_v, usem)
        pltpu.async_copy(batch_hbm.at[dst_v.at[j]], bd_v, usem)

    def process(j, rows_v, dd_v, bd_v, uidx_v, gsem, usem):
        pltpu.make_async_copy(g_hbm.at[src_v.at[j]], rows_v, gsem).wait()
        pltpu.sync_copy(rows_v, acc_sh.at[dst_v.at[j]], add=True)
        pltpu.make_async_copy(dinv_hbm.at[dst_v.at[j]], dd_v, usem).wait()
        pltpu.make_async_copy(batch_hbm.at[dst_v.at[j]], bd_v, usem).wait()
        for i in range(CH // 16):
            s16 = src_v[j, pl.ds(i * 16, 16)]
            b16 = bd_v[pl.ds(i * 16, 16)]
            uidx_v[pl.ds(i * 16, 16)] = s16 * NG + b16
        pltpu.sync_copy(dd_v, u_sh.at[uidx_v], add=True)

    issue(0, rows0_v, dd0_v, bd0_v, gsem0, usem0)

    def body2(t, carry):
        j0 = 2 * t
        j1 = j0 + 1
        issue(j1, rows1_v, dd1_v, bd1_v, gsem1, usem1)
        process(j0, rows0_v, dd0_v, bd0_v, uidx0_v, gsem0, usem0)

        @pl.when(t < KCH // 2 - 1)
        def _():
            issue(j0 + 2, rows0_v, dd0_v, bd0_v, gsem0, usem0)

        process(j1, rows1_v, dd1_v, bd1_v, uidx1_v, gsem1, usem1)
        return carry

    lax.fori_loop(0, KCH // 2, body2, 0)
    plsc.subcore_barrier()
    pltpu.async_copy(acc_sh.at[pl.ds(sid * RPT, RPT)],
                     acc_out.at[cid, pl.ds(sid * RPT, RPT)], gsem0)
    pltpu.async_copy(u_sh.at[pl.ds(sid * UPT, UPT)],
                     u_out.at[cid, pl.ds(sid * UPT, UPT)], gsem1)
    pltpu.make_async_copy(acc_sh.at[pl.ds(sid * RPT, RPT)],
                          acc_out.at[cid, pl.ds(sid * RPT, RPT)], gsem0).wait()
    pltpu.make_async_copy(u_sh.at[pl.ds(sid * UPT, UPT)],
                          u_out.at[cid, pl.ds(sid * UPT, UPT)], gsem1).wait()


def _mm_body(x_ref, w_ref, d0_ref, d1_ref, g_ref, dinv_ref):
    i = pl.program_id(0)
    h1 = jnp.dot(x_ref[...], w_ref[...], preferred_element_type=jnp.float32,
                 precision=lax.Precision.HIGHEST)
    deg = d0_ref[...] + d1_ref[...] + 1.0
    rid = i * TM + lax.broadcasted_iota(jnp.int32, (TM, 1), 0)
    dinv = jnp.where(rid < N, lax.rsqrt(deg), 0.0)
    g_ref[...] = h1 * dinv
    dinv_ref[...] = dinv


def _tc_matmul(xp, W1, deg0, deg1):
    return pl.pallas_call(
        _mm_body,
        grid=(GRID,),
        in_specs=[
            pl.BlockSpec((TM, IN_DIM), lambda i: (i, 0)),
            pl.BlockSpec((IN_DIM, HID), lambda i: (0, 0)),
            pl.BlockSpec((TM, 1), lambda i: (i, 0)),
            pl.BlockSpec((TM, 1), lambda i: (i, 0)),
        ],
        out_specs=[
            pl.BlockSpec((TM, HID), lambda i: (i, 0)),
            pl.BlockSpec((TM, 1), lambda i: (i, 0)),
        ],
        out_shape=[
            jax.ShapeDtypeStruct((ROWS, HID), jnp.float32),
            jax.ShapeDtypeStruct((ROWS, 1), jnp.float32),
        ],
    )(xp, W1, deg0, deg1)


def _fin_body(a0_ref, a1_ref, g_ref, dv_ref, u0_ref, u1_ref, bt_ref,
              b1_ref, w2_ref, b2_ref, out_ref, p_acc, c_acc):
    k = pl.program_id(0)

    @pl.when(k == 0)
    def _():
        p_acc[...] = jnp.zeros_like(p_acc)
        c_acc[...] = jnp.zeros_like(c_acc)

    dv = dv_ref[...]
    h = jnp.maximum(dv * (a0_ref[...] + a1_ref[...] + g_ref[...]) + b1_ref[...],
                    0.0)
    gids = lax.broadcasted_iota(jnp.int32, (TM, NG), 1)
    onehot = (bt_ref[...] == gids).astype(jnp.float32)
    ueff = (u0_ref[...] + u1_ref[...] + onehot * dv) * dv
    dn = (((0,), (0,)), ((), ()))
    p_acc[...] += lax.dot_general(ueff, h, dn, preferred_element_type=jnp.float32,
                                  precision=lax.Precision.HIGHEST)
    c_acc[...] += lax.dot_general(onehot, jnp.ones((TM, HID), jnp.float32), dn,
                                  preferred_element_type=jnp.float32,
                                  precision=lax.Precision.HIGHEST)

    @pl.when(k == GRID - 1)
    def _():
        cnt = jnp.maximum(c_acc[...], 1.0)
        out_ref[...] = (jnp.dot(p_acc[...] / cnt, w2_ref[...],
                                preferred_element_type=jnp.float32,
                                precision=lax.Precision.HIGHEST)
                        + b2_ref[...])


def _tc_final(acc0, acc1, g_pad, dinv_col, u0, u1, bt, b1r, W2, b2r):
    return pl.pallas_call(
        _fin_body,
        grid=(GRID,),
        in_specs=[
            pl.BlockSpec((TM, HID), lambda k: (k, 0)),
            pl.BlockSpec((TM, HID), lambda k: (k, 0)),
            pl.BlockSpec((TM, HID), lambda k: (k, 0)),
            pl.BlockSpec((TM, 1), lambda k: (k, 0)),
            pl.BlockSpec((TM, NG), lambda k: (k, 0)),
            pl.BlockSpec((TM, NG), lambda k: (k, 0)),
            pl.BlockSpec((TM, 1), lambda k: (k, 0)),
            pl.BlockSpec((1, HID), lambda k: (0, 0)),
            pl.BlockSpec((HID, OUT_DIM), lambda k: (0, 0)),
            pl.BlockSpec((1, OUT_DIM), lambda k: (0, 0)),
        ],
        out_specs=pl.BlockSpec((NG, OUT_DIM), lambda k: (0, 0)),
        out_shape=jax.ShapeDtypeStruct((NG, OUT_DIM), jnp.float32),
        scratch_shapes=[
            pltpu.VMEM((NG, HID), jnp.float32),
            pltpu.VMEM((NG, HID), jnp.float32),
        ],
    )(acc0, acc1, g_pad, dinv_col, u0, u1, bt, b1r, W2, b2r)


def kernel(x, edge_index, batch, W1, b1, W2, b2):
    x = x.astype(jnp.float32)
    src = edge_index[0]
    dst = edge_index[1]
    pad_e = jnp.full((EPAD - E,), N, jnp.int32)
    srcp = jnp.concatenate([src, pad_e]).reshape(NW, KCH, CH)
    dstp = jnp.concatenate([dst, pad_e]).reshape(NW, KCH, CH)
    batchp = jnp.concatenate([batch, jnp.full((ROWS - N,), NG, jnp.int32)])
    xp = jnp.pad(x, ((0, ROWS - N), (0, 0)))
    zeros1d = jnp.zeros((RPT,), jnp.float32)
    ones128 = jnp.ones((CH,), jnp.float32)

    deg2 = _sc_degree(dstp, ones128, zeros1d)
    deg0 = deg2[0].reshape(ROWS, 1)
    deg1 = deg2[1].reshape(ROWS, 1)

    g_pad, dinv_col = _tc_matmul(xp, W1, deg0, deg1)

    acc2, u2 = _sc_edges(srcp, dstp, g_pad, dinv_col.reshape(ROWS), batchp)

    u0 = u2[0].reshape(ROWS, NG)
    u1 = u2[1].reshape(ROWS, NG)
    pool = _tc_final(acc2[0], acc2[1], g_pad, dinv_col, u0, u1,
                     batchp.reshape(ROWS, 1), b1.reshape(1, HID), W2,
                     b2.reshape(1, OUT_DIM))
    return pool

# --- scband reference (transcript-rebuilt; emitter-appended) ---
"""Pipeline reference for scband-codebook-encoder-25658134626608 (READ-ONLY COPY).

The authoritative reference and input builder live on the scoring server;
editing this copy changes nothing except your own understanding.
"""

import jax, jax.numpy as jnp
import numpy as np

N_NODES = 10000
N_EDGES = 160000
IN_DIM = 256
HID_DIM = 128
OUT_DIM = 64
N_GRAPHS = 16


def setup_inputs(seed: int = 0) -> dict:
    key = jax.random.key(seed)
    k1, k2, k3, k4, k5 = jax.random.split(key, 5)
    x = jax.random.normal(k1, (N_NODES, IN_DIM), dtype=jnp.float32)
    edge_index = jax.random.randint(k2, (2, N_EDGES), 0, N_NODES, dtype=jnp.int32)
    batch = jnp.sort(jax.random.randint(k3, (N_NODES,), 0, N_GRAPHS, dtype=jnp.int32))
    # GCNConv parameters (Glorot-ish init, zeros bias), sized per init_kwargs
    W1 = jax.random.normal(k4, (IN_DIM, HID_DIM), dtype=jnp.float32) * (1.0 / np.sqrt(IN_DIM))
    b1 = jnp.zeros((HID_DIM,), dtype=jnp.float32)
    W2 = jax.random.normal(k5, (HID_DIM, OUT_DIM), dtype=jnp.float32) * (1.0 / np.sqrt(HID_DIM))
    b2 = jnp.zeros((OUT_DIM,), dtype=jnp.float32)
    return {"x": x, "edge_index": edge_index, "batch": batch, "W1": W1, "b1": b1, "W2": W2, "b2": b2}


def _gcn_conv(x, edge_index, W, b, num_nodes):
    # GCNConv: D^{-1/2} (A + I) D^{-1/2} X W + b
    h = x @ W
    src = edge_index[0]
    dst = edge_index[1]
    loop = jnp.arange(num_nodes, dtype=src.dtype)
    src = jnp.concatenate([src, loop])
    dst = jnp.concatenate([dst, loop])
    deg = jnp.zeros((num_nodes,), dtype=h.dtype).at[dst].add(1.0)
    dinv = jnp.where(deg > 0, jax.lax.rsqrt(deg), 0.0)
    norm = dinv[src] * dinv[dst]
    msgs = h[src] * norm[:, None]
    out = jnp.zeros((num_nodes, h.shape[1]), dtype=h.dtype).at[dst].add(msgs)
    return out + b


def _global_mean_pool(h, batch, num_graphs):
    s = jax.ops.segment_sum(h, batch, num_segments=num_graphs)
    cnt = jax.ops.segment_sum(jnp.ones((h.shape[0],), dtype=h.dtype), batch, num_segments=num_graphs)
    return s / jnp.clip(cnt, 1.0)[:, None]


def reference(x, edge_index, batch, W1, b1, W2, b2):
    n = x.shape[0]
    h = _gcn_conv(x.astype(jnp.float32), edge_index, W1, b1, n)
    h = jax.nn.relu(h)
    h = _gcn_conv(h, edge_index, W2, b2, n)
    return _global_mean_pool(h, batch, N_GRAPHS)

if __name__ == "__main__":
    import jax
    _d = setup_inputs()
    print(jax.jit(kernel)(*tuple(_d.values())))

</pallas_src>

<mosaic_0001>
#map = affine_map<(d0, d1) -> (0, 0, 0)>
#map1 = affine_map<(d0, d1) -> (0, 0)>
#map2 = affine_map<(d0, d1) -> (0)>
module attributes {stable_mosaic.version = 14 : i64} {
  func.func @_sc_edges(%arg0: i32, %arg1: i32, %arg2: memref<32x64x80xi32, #tpu.memory_space<hbm>>, %arg3: memref<32x64x80xi32, #tpu.memory_space<hbm>>, %arg4: memref<10240x128xf32, #tpu.memory_space<hbm>>, %arg5: memref<10240xf32, #tpu.memory_space<hbm>>, %arg6: memref<10240xi32, #tpu.memory_space<hbm>>, %arg7: memref<2x10240x128xf32, #tpu.memory_space<hbm>>, %arg8: memref<2x163840xf32, #tpu.memory_space<hbm>>, %arg9: memref<64x80xi32, #tpu.memory_space<vmem>>, %arg10: memref<64x80xi32, #tpu.memory_space<vmem>>, %arg11: memref<80x128xf32, #tpu.memory_space<vmem>>, %arg12: memref<80x128xf32, #tpu.memory_space<vmem>>, %arg13: memref<80xf32, #tpu.memory_space<vmem>>, %arg14: memref<80xf32, #tpu.memory_space<vmem>>, %arg15: memref<80xi32, #tpu.memory_space<vmem>>, %arg16: memref<80xi32, #tpu.memory_space<vmem>>, %arg17: memref<80xi32, #tpu.memory_space<vmem>>, %arg18: memref<80xi32, #tpu.memory_space<vmem>>, %arg19: memref<512xf32, #tpu.memory_space<vmem>>, %arg20: memref<10240x128xf32, #tpu.memory_space<vmem_shared>>, %arg21: memref<163840xf32, #tpu.memory_space<vmem_shared>>, %arg22: memref<!tpu.dma_semaphore, #tpu.memory_space<semaphore_mem>>, %arg23: memref<!tpu.dma_semaphore, #tpu.memory_space<semaphore_mem>>, %arg24: memref<!tpu.dma_semaphore, #tpu.memory_space<semaphore_mem>>, %arg25: memref<!tpu.dma_semaphore, #tpu.memory_space<semaphore_mem>>) attributes {dimension_semantics = [#tpu.dimension_semantics<core_parallel>, #tpu.dimension_semantics<subcore_parallel>], iteration_bounds = array<i64: 2, 16>, scalar_prefetch = 0 : i64, scratch_operands = 17 : i64, tpu.core_type = #tpu.core_type<sc_vector_subcore>, window_params = [{transform_indices = #map}, {transform_indices = #map}, {transform_indices = #map1}, {transform_indices = #map2}, {transform_indices = #map2}, {transform_indices = #map}, {transform_indices = #map1}]} {
    %mul3A = arith.constant 2 : i32
    %mul3A_0 = arith.muli %arg1, %mul3A : i32
    %add3A = arith.addi %mul3A_0, %arg0 : i32
    %broadcast_in_dim3A = arith.constant 0.000000e+00 : f32
    %broadcast_in_dim3A_1 = vector.broadcast %broadcast_in_dim3A : f32 to vector<16xf32>
    %scan3A = arith.constant 0 : i32
    %scan3A_2 = arith.constant 0 : i32
    %scan3A_3 = arith.constant 80 : i32
    %scan3A_4 = arith.addi %scan3A_2, %scan3A_3 : i32
    %scan3A_5 = arith.constant 1 : i32
    scf.for %scan3A_469 = %scan3A_2 to %scan3A_4 step %scan3A_5  : i32 {
      %swap3A = arith.index_cast %scan3A_469 : i32 to index
      %swap3A_470 = arith.constant 0 : index
      %swap3A_471 = tpu.vector_load %arg11[%swap3A, %swap3A_470] {strides = array<i32>} : memref<80x128xf32, #tpu.memory_space<vmem>>, vector<16xf32>,
      tpu.vector_store %arg11[%swap3A, %swap3A_470], %broadcast_in_dim3A_1 {strides = array<i32>} : memref<80x128xf32, #tpu.memory_space<vmem>>, vector<16xf32>,
      %swap3A_472 = arith.index_cast %scan3A_469 : i32 to index
      %swap3A_473 = arith.constant 16 : index
      %swap3A_474 = tpu.vector_load %arg11[%swap3A_472, %swap3A_473] {strides = array<i32>} : memref<80x128xf32, #tpu.memory_space<vmem>>, vector<16xf32>,
      tpu.vector_store %arg11[%swap3A_472, %swap3A_473], %broadcast_in_dim3A_1 {strides = array<i32>} : memref<80x128xf32, #tpu.memory_space<vmem>>, vector<16xf32>,
      %swap3A_475 = arith.index_cast %scan3A_469 : i32 to index
      %swap3A_476 = arith.constant 32 : index
      %swap3A_477 = tpu.vector_load %arg11[%swap3A_475, %swap3A_476] {strides = array<i32>} : memref<80x128xf32, #tpu.memory_space<vmem>>, vector<16xf32>,
      tpu.vector_store %arg11[%swap3A_475, %swap3A_476], %broadcast_in_dim3A_1 {strides = array<i32>} : memref<80x128xf32, #tpu.memory_space<vmem>>, vector<16xf32>,
      %swap3A_478 = arith.index_cast %scan3A_469 : i32 to index
      %swap3A_479 = arith.constant 48 : index
      %swap3A_480 = tpu.vector_load %arg11[%swap3A_478, %swap3A_479] {strides = array<i32>} : memref<80x128xf32, #tpu.memory_space<vmem>>, vector<16xf32>,
      tpu.vector_store %arg11[%swap3A_478, %swap3A_479], %broadcast_in_dim3A_1 {strides = array<i32>} : memref<80x128xf32, #tpu.memory_space<vmem>>, vector<16xf32>,
      %swap3A_481 = arith.index_cast %scan3A_469 : i32 to index
      %swap3A_482 = arith.constant 64 : index
      %swap3A_483 = tpu.vector_load %arg11[%swap3A_481, %swap3A_482] {strides = array<i32>} : memref<80x128xf32, #tpu.memory_space<vmem>>, vector<16xf32>,
      tpu.vector_store %arg11[%swap3A_481, %swap3A_482], %broadcast_in_dim3A_1 {strides = array<i32>} : memref<80x128xf32, #tpu.memory_space<vmem>>, vector<16xf32>,
      %swap3A_484 = arith.index_cast %scan3A_469 : i32 to index
      %swap3A_485 = arith.constant 80 : index
      %swap3A_486 = tpu.vector_load %arg11[%swap3A_484, %swap3A_485] {strides = array<i32>} : memref<80x128xf32, #tpu.memory_space<vmem>>, vector<16xf32>,
      tpu.vector_store %arg11[%swap3A_484, %swap3A_485], %broadcast_in_dim3A_1 {strides = array<i32>} : memref<80x128xf32, #tpu.memory_space<vmem>>, vector<16xf32>,
      %swap3A_487 = arith.index_cast %scan3A_469 : i32 to index
      %swap3A_488 = arith.constant 96 : index
      %swap3A_489 = tpu.vector_load %arg11[%swap3A_487, %swap3A_488] {strides = array<i32>} : memref<80x128xf32, #tpu.memory_space<vmem>>, vector<16xf32>,
      tpu.vector_store %arg11[%swap3A_487, %swap3A_488], %broadcast_in_dim3A_1 {strides = array<i32>} : memref<80x128xf32, #tpu.memory_space<vmem>>, vector<16xf32>,
      %swap3A_490 = arith.index_cast %scan3A_469 : i32 to index
      %swap3A_491 = arith.constant 112 : index
      %swap3A_492 = tpu.vector_load %arg11[%swap3A_490, %swap3A_491] {strides = array<i32>} : memref<80x128xf32, #tpu.memory_space<vmem>>, vector<16xf32>,
      tpu.vector_store %arg11[%swap3A_490, %swap3A_491], %broadcast_in_dim3A_1 {strides = array<i32>} : memref<80x128xf32, #tpu.memory_space<vmem>>, vector<16xf32>,
    }
    %scan3A_6 = arith.constant 80 : i32
    %scan3A_7 = arith.constant 0 : i32
    %scan3A_8 = arith.constant 0 : i32
    %scan3A_9 = arith.constant 32 : i32
    %scan3A_10 = arith.addi %scan3A_8, %scan3A_9 : i32
    %scan3A_11 = arith.constant 1 : i32
    scf.for %scan3A_469 = %scan3A_8 to %scan3A_10 step %scan3A_11  : i32 {
      %mul3A_470 = arith.constant 16 : i32
      %mul3A_471 = arith.muli %scan3A_469, %mul3A_470 : i32
      %swap3A = arith.index_cast %mul3A_471 : i32 to index
      %swap3A_472 = tpu.vector_load %arg19[%swap3A] {strides = array<i32>} : memref<512xf32, #tpu.memory_space<vmem>>, vector<16xf32>,
      tpu.vector_store %arg19[%swap3A], %broadcast_in_dim3A_1 {strides = array<i32>} : memref<512xf32, #tpu.memory_space<vmem>>, vector<16xf32>,
    }
    %scan3A_12 = arith.constant 32 : i32
    %mul3A_13 = arith.constant 640 : i32
    %mul3A_14 = arith.muli %arg1, %mul3A_13 : i32
    %add3A_15 = arith.constant 0 : i32
    %add3A_16 = arith.addi %mul3A_14, %add3A_15 : i32
    %dma_start3A = arith.constant 0 : i32
    %dma_start3A_17 = tpu.memref_slice %arg20[%add3A_16, %dma_start3A] : memref<10240x128xf32, #tpu.memory_space<vmem_shared>> -> memref<80x128xf32, #tpu.memory_space<vmem_shared>>
    %dma_start3A_18 = arith.constant 0 : i32
    %dma_start3A_19 = tpu.memref_slice %arg20[%add3A_16, %dma_start3A_18] : memref<10240x128xf32, #tpu.memory_space<vmem_shared>> -> memref<80x128xf32, #tpu.memory_space<vmem_shared>>
    tpu.enqueue_dma source(%arg11 : memref<80x128xf32, #tpu.memory_space<vmem>>) target(%dma_start3A_19 : memref<80x128xf32, #tpu.memory_space<vmem_shared>>) target_semaphore(%arg22 : memref<!tpu.dma_semaphore, #tpu.memory_space<semaphore_mem>>)
    %mul3A_20 = arith.constant 640 : i32
    %mul3A_21 = arith.muli %arg1, %mul3A_20 : i32
    %add3A_22 = arith.constant 80 : i32
    %add3A_23 = arith.addi %mul3A_21, %add3A_22 : i32
    %dma_start3A_24 = arith.constant 0 : i32
    %dma_start3A_25 = tpu.memref_slice %arg20[%add3A_23, %dma_start3A_24] : memref<10240x128xf32, #tpu.memory_space<vmem_shared>> -> memref<80x128xf32, #tpu.memory_space<vmem_shared>>
    %dma_start3A_26 = arith.constant 0 : i32
    %dma_start3A_27 = tpu.memref_slice %arg20[%add3A_23, %dma_start3A_26] : memref<10240x128xf32, #tpu.memory_space<vmem_shared>> -> memref<80x128xf32, #tpu.memory_space<vmem_shared>>
    tpu.enqueue_dma source(%arg11 : memref<80x128xf32, #tpu.memory_space<vmem>>) target(%dma_start3A_27 : memref<80x128xf32, #tpu.memory_space<vmem_shared>>) target_semaphore(%arg22 : memref<!tpu.dma_semaphore, #tpu.memory_space<semaphore_mem>>)
    %mul3A_28 = arith.constant 640 : i32
    %mul3A_29 = arith.muli %arg1, %mul3A_28 : i32
    %add3A_30 = arith.constant 160 : i32
    %add3A_31 = arith.addi %mul3A_29, %add3A_30 : i32
    %dma_start3A_32 = arith.constant 0 : i32
    %dma_start3A_33 = tpu.memref_slice %arg20[%add3A_31, %dma_start3A_32] : memref<10240x128xf32, #tpu.memory_space<vmem_shared>> -> memref<80x128xf32, #tpu.memory_space<vmem_shared>>
    %dma_start3A_34 = arith.constant 0 : i32
    %dma_start3A_35 = tpu.memref_slice %arg20[%add3A_31, %dma_start3A_34] : memref<10240x128xf32, #tpu.memory_space<vmem_shared>> -> memref<80x128xf32, #tpu.memory_space<vmem_shared>>
    tpu.enqueue_dma source(%arg11 : memref<80x128xf32, #tpu.memory_space<vmem>>) target(%dma_start3A_35 : memref<80x128xf32, #tpu.memory_space<vmem_shared>>) target_semaphore(%arg22 : memref<!tpu.dma_semaphore, #tpu.memory_space<semaphore_mem>>)
    %mul3A_36 = arith.constant 640 : i32
    %mul3A_37 = arith.muli %arg1, %mul3A_36 : i32
    %add3A_38 = arith.constant 240 : i32
    %add3A_39 = arith.addi %mul3A_37, %add3A_38 : i32
    %dma_start3A_40 = arith.constant 0 : i32
    %dma_start3A_41 = tpu.memref_slice %arg20[%add3A_39, %dma_start3A_40] : memref<10240x128xf32, #tpu.memory_space<vmem_shared>> -> memref<80x128xf32, #tpu.memory_space<vmem_shared>>
    %dma_start3A_42 = arith.constant 0 : i32
    %dma_start3A_43 = tpu.memref_slice %arg20[%add3A_39, %dma_start3A_42] : memref<10240x128xf32, #tpu.memory_space<vmem_shared>> -> memref<80x128xf32, #tpu.memory_space<vmem_shared>>
    tpu.enqueue_dma source(%arg11 : memref<80x128xf32, #tpu.memory_space<vmem>>) target(%dma_start3A_43 : memref<80x128xf32, #tpu.memory_space<vmem_shared>>) target_semaphore(%arg22 : memref<!tpu.dma_semaphore, #tpu.memory_space<semaphore_mem>>)
    %mul3A_44 = arith.constant 640 : i32
    %mul3A_45 = arith.muli %arg1, %mul3A_44 : i32
    %add3A_46 = arith.constant 320 : i32
    %add3A_47 = arith.addi %mul3A_45, %add3A_46 : i32
    %dma_start3A_48 = arith.constant 0 : i32
    %dma_start3A_49 = tpu.memref_slice %arg20[%add3A_47, %dma_start3A_48] : memref<10240x128xf32, #tpu.memory_space<vmem_shared>> -> memref<80x128xf32, #tpu.memory_space<vmem_shared>>
    %dma_start3A_50 = arith.constant 0 : i32
    %dma_start3A_51 = tpu.memref_slice %arg20[%add3A_47, %dma_start3A_50] : memref<10240x128xf32, #tpu.memory_space<vmem_shared>> -> memref<80x128xf32, #tpu.memory_space<vmem_shared>>
    tpu.enqueue_dma source(%arg11 : memref<80x128xf32, #tpu.memory_space<vmem>>) target(%dma_start3A_51 : memref<80x128xf32, #tpu.memory_space<vmem_shared>>) target_semaphore(%arg22 : memref<!tpu.dma_semaphore, #tpu.memory_space<semaphore_mem>>)
    %mul3A_52 = arith.constant 640 : i32
    %mul3A_53 = arith.muli %arg1, %mul3A_52 : i32
    %add3A_54 = arith.constant 400 : i32
    %add3A_55 = arith.addi %mul3A_53, %add3A_54 : i32
    %dma_start3A_56 = arith.constant 0 : i32
    %dma_start3A_57 = tpu.memref_slice %arg20[%add3A_55, %dma_start3A_56] : memref<10240x128xf32, #tpu.memory_space<vmem_shared>> -> memref<80x128xf32, #tpu.memory_space<vmem_shared>>
    %dma_start3A_58 = arith.constant 0 : i32
    %dma_start3A_59 = tpu.memref_slice %arg20[%add3A_55, %dma_start3A_58] : memref<10240x128xf32, #tpu.memory_space<vmem_shared>> -> memref<80x128xf32, #tpu.memory_space<vmem_shared>>
    tpu.enqueue_dma source(%arg11 : memref<80x128xf32, #tpu.memory_space<vmem>>) target(%dma_start3A_59 : memref<80x128xf32, #tpu.memory_space<vmem_shared>>) target_semaphore(%arg22 : memref<!tpu.dma_semaphore, #tpu.memory_space<semaphore_mem>>)
    %mul3A_60 = arith.constant 640 : i32
    %mul3A_61 = arith.muli %arg1, %mul3A_60 : i32
    %add3A_62 = arith.constant 480 : i32
    %add3A_63 = arith.addi %mul3A_61, %add3A_62 : i32
    %dma_start3A_64 = arith.constant 0 : i32
    %dma_start3A_65 = tpu.memref_slice %arg20[%add3A_63, %dma_start3A_64] : memref<10240x128xf32, #tpu.memory_space<vmem_shared>> -> memref<80x128xf32, #tpu.memory_space<vmem_shared>>
    %dma_start3A_66 = arith.constant 0 : i32
    %dma_start3A_67 = tpu.memref_slice %arg20[%add3A_63, %dma_start3A_66] : memref<10240x128xf32, #tpu.memory_space<vmem_shared>> -> memref<80x128xf32, #tpu.memory_space<vmem_shared>>
    tpu.enqueue_dma source(%arg11 : memref<80x128xf32, #tpu.memory_space<vmem>>) target(%dma_start3A_67 : memref<80x128xf32, #tpu.memory_space<vmem_shared>>) target_semaphore(%arg22 : memref<!tpu.dma_semaphore, #tpu.memory_space<semaphore_mem>>)
    %mul3A_68 = arith.constant 640 : i32
    %mul3A_69 = arith.muli %arg1, %mul3A_68 : i32
    %add3A_70 = arith.constant 560 : i32
    %add3A_71 = arith.addi %mul3A_69, %add3A_70 : i32
    %dma_start3A_72 = arith.constant 0 : i32
    %dma_start3A_73 = tpu.memref_slice %arg20[%add3A_71, %dma_start3A_72] : memref<10240x128xf32, #tpu.memory_space<vmem_shared>> -> memref<80x128xf32, #tpu.memory_space<vmem_shared>>
    %dma_start3A_74 = arith.constant 0 : i32
    %dma_start3A_75 = tpu.memref_slice %arg20[%add3A_71, %dma_start3A_74] : memref<10240x128xf32, #tpu.memory_space<vmem_shared>> -> memref<80x128xf32, #tpu.memory_space<vmem_shared>>
    tpu.enqueue_dma source(%arg11 : memref<80x128xf32, #tpu.memory_space<vmem>>) target(%dma_start3A_75 : memref<80x128xf32, #tpu.memory_space<vmem_shared>>) target_semaphore(%arg22 : memref<!tpu.dma_semaphore, #tpu.memory_space<semaphore_mem>>)
    %mul3A_76 = arith.constant 10240 : i32
    %mul3A_77 = arith.muli %arg1, %mul3A_76 : i32
    %add3A_78 = arith.constant 0 : i32
    %add3A_79 = arith.addi %mul3A_77, %add3A_78 : i32
    %dma_start3A_80 = tpu.memref_slice %arg21[%add3A_79] : memref<163840xf32, #tpu.memory_space<vmem_shared>> -> memref<512xf32, #tpu.memory_space<vmem_shared>>
    %dma_start3A_81 = tpu.memref_slice %arg21[%add3A_79] : memref<163840xf32, #tpu.memory_space<vmem_shared>> -> memref<512xf32, #tpu.memory_space<vmem_shared>>
    tpu.enqueue_dma source(%arg19 : memref<512xf32, #tpu.memory_space<vmem>>) target(%dma_start3A_81 : memref<512xf32, #tpu.memory_space<vmem_shared>>) target_semaphore(%arg23 : memref<!tpu.dma_semaphore, #tpu.memory_space<semaphore_mem>>)
    %mul3A_82 = arith.constant 10240 : i32
    %mul3A_83 = arith.muli %arg1, %mul3A_82 : i32
    %add3A_84 = arith.constant 512 : i32
    %add3A_85 = arith.addi %mul3A_83, %add3A_84 : i32
    %dma_start3A_86 = tpu.memref_slice %arg21[%add3A_85] : memref<163840xf32, #tpu.memory_space<vmem_shared>> -> memref<512xf32, #tpu.memory_space<vmem_shared>>
    %dma_start3A_87 = tpu.memref_slice %arg21[%add3A_85] : memref<163840xf32, #tpu.memory_space<vmem_shared>> -> memref<512xf32, #tpu.memory_space<vmem_shared>>
    tpu.enqueue_dma source(%arg19 : memref<512xf32, #tpu.memory_space<vmem>>) target(%dma_start3A_87 : memref<512xf32, #tpu.memory_space<vmem_shared>>) target_semaphore(%arg23 : memref<!tpu.dma_semaphore, #tpu.memory_space<semaphore_mem>>)
    %mul3A_88 = arith.constant 10240 : i32
    %mul3A_89 = arith.muli %arg1, %mul3A_88 : i32
    %add3A_90 = arith.constant 1024 : i32
    %add3A_91 = arith.addi %mul3A_89, %add3A_90 : i32
    %dma_start3A_92 = tpu.memref_slice %arg21[%add3A_91] : memref<163840xf32, #tpu.memory_space<vmem_shared>> -> memref<512xf32, #tpu.memory_space<vmem_shared>>
    %dma_start3A_93 = tpu.memref_slice %arg21[%add3A_91] : memref<163840xf32, #tpu.memory_space<vmem_shared>> -> memref<512xf32, #tpu.memory_space<vmem_shared>>
    tpu.enqueue_dma source(%arg19 : memref<512xf32, #tpu.memory_space<vmem>>) target(%dma_start3A_93 : memref<512xf32, #tpu.memory_space<vmem_shared>>) target_semaphore(%arg23 : memref<!tpu.dma_semaphore, #tpu.memory_space<semaphore_mem>>)
    %mul3A_94 = arith.constant 10240 : i32
    %mul3A_95 = arith.muli %arg1, %mul3A_94 : i32
    %add3A_96 = arith.constant 1536 : i32
    %add3A_97 = arith.addi %mul3A_95, %add3A_96 : i32
    %dma_start3A_98 = tpu.memref_slice %arg21[%add3A_97] : memref<163840xf32, #tpu.memory_space<vmem_shared>> -> memref<512xf32, #tpu.memory_space<vmem_shared>>
    %dma_start3A_99 = tpu.memref_slice %arg21[%add3A_97] : memref<163840xf32, #tpu.memory_space<vmem_shared>> -> memref<512xf32, #tpu.memory_space<vmem_shared>>
    tpu.enqueue_dma source(%arg19 : memref<512xf32, #tpu.memory_space<vmem>>) target(%dma_start3A_99 : memref<512xf32, #tpu.memory_space<vmem_shared>>) target_semaphore(%arg23 : memref<!tpu.dma_semaphore, #tpu.memory_space<semaphore_mem>>)
    %mul3A_100 = arith.constant 10240 : i32
    %mul3A_101 = arith.muli %arg1, %mul3A_100 : i32
    %add3A_102 = arith.constant 2048 : i32
    %add3A_103 = arith.addi %mul3A_101, %add3A_102 : i32
    %dma_start3A_104 = tpu.memref_slice %arg21[%add3A_103] : memref<163840xf32, #tpu.memory_space<vmem_shared>> -> memref<512xf32, #tpu.memory_space<vmem_shared>>
    %dma_start3A_105 = tpu.memref_slice %arg21[%add3A_103] : memref<163840xf32, #tpu.memory_space<vmem_shared>> -> memref<512xf32, #tpu.memory_space<vmem_shared>>
    tpu.enqueue_dma source(%arg19 : memref<512xf32, #tpu.memory_space<vmem>>) target(%dma_start3A_105 : memref<512xf32, #tpu.memory_space<vmem_shared>>) target_semaphore(%arg23 : memref<!tpu.dma_semaphore, #tpu.memory_space<semaphore_mem>>)
    %mul3A_106 = arith.constant 10240 : i32
    %mul3A_107 = arith.muli %arg1, %mul3A_106 : i32
    %add3A_108 = arith.constant 2560 : i32
    %add3A_109 = arith.addi %mul3A_107, %add3A_108 : i32
    %dma_start3A_110 = tpu.memref_slice %arg21[%add3A_109] : memref<163840xf32, #tpu.memory_space<vmem_shared>> -> memref<512xf32, #tpu.memory_space<vmem_shared>>
    %dma_start3A_111 = tpu.memref_slice %arg21[%add3A_109] : memref<163840xf32, #tpu.memory_space<vmem_shared>> -> memref<512xf32, #tpu.memory_space<vmem_shared>>
    tpu.enqueue_dma source(%arg19 : memref<512xf32, #tpu.memory_space<vmem>>) target(%dma_start3A_111 : memref<512xf32, #tpu.memory_space<vmem_shared>>) target_semaphore(%arg23 : memref<!tpu.dma_semaphore, #tpu.memory_space<semaphore_mem>>)
    %mul3A_112 = arith.constant 10240 : i32
    %mul3A_113 = arith.muli %arg1, %mul3A_112 : i32
    %add3A_114 = arith.constant 3072 : i32
    %add3A_115 = arith.addi %mul3A_113, %add3A_114 : i32
    %dma_start3A_116 = tpu.memref_slice %arg21[%add3A_115] : memref<163840xf32, #tpu.memory_space<vmem_shared>> -> memref<512xf32, #tpu.memory_space<vmem_shared>>
    %dma_start3A_117 = tpu.memref_slice %arg21[%add3A_115] : memref<163840xf32, #tpu.memory_space<vmem_shared>> -> memref<512xf32, #tpu.memory_space<vmem_shared>>
    tpu.enqueue_dma source(%arg19 : memref<512xf32, #tpu.memory_space<vmem>>) target(%dma_start3A_117 : memref<512xf32, #tpu.memory_space<vmem_shared>>) target_semaphore(%arg23 : memref<!tpu.dma_semaphore, #tpu.memory_space<semaphore_mem>>)
    %mul3A_118 = arith.constant 10240 : i32
    %mul3A_119 = arith.muli %arg1, %mul3A_118 : i32
    %add3A_120 = arith.constant 3584 : i32
    %add3A_121 = arith.addi %mul3A_119, %add3A_120 : i32
    %dma_start3A_122 = tpu.memref_slice %arg21[%add3A_121] : memref<163840xf32, #tpu.memory_space<vmem_shared>> -> memref<512xf32, #tpu.memory_space<vmem_shared>>
    %dma_start3A_123 = tpu.memref_slice %arg21[%add3A_121] : memref<163840xf32, #tpu.memory_space<vmem_shared>> -> memref<512xf32, #tpu.memory_space<vmem_shared>>
    tpu.enqueue_dma source(%arg19 : memref<512xf32, #tpu.memory_space<vmem>>) target(%dma_start3A_123 : memref<512xf32, #tpu.memory_space<vmem_shared>>) target_semaphore(%arg23 : memref<!tpu.dma_semaphore, #tpu.memory_space<semaphore_mem>>)
    %mul3A_124 = arith.constant 10240 : i32
    %mul3A_125 = arith.muli %arg1, %mul3A_124 : i32
    %add3A_126 = arith.constant 4096 : i32
    %add3A_127 = arith.addi %mul3A_125, %add3A_126 : i32
    %dma_start3A_128 = tpu.memref_slice %arg21[%add3A_127] : memref<163840xf32, #tpu.memory_space<vmem_shared>> -> memref<512xf32, #tpu.memory_space<vmem_shared>>
    %dma_start3A_129 = tpu.memref_slice %arg21[%add3A_127] : memref<163840xf32, #tpu.memory_space<vmem_shared>> -> memref<512xf32, #tpu.memory_space<vmem_shared>>
    tpu.enqueue_dma source(%arg19 : memref<512xf32, #tpu.memory_space<vmem>>) target(%dma_start3A_129 : memref<512xf32, #tpu.memory_space<vmem_shared>>) target_semaphore(%arg23 : memref<!tpu.dma_semaphore, #tpu.memory_space<semaphore_mem>>)
    %mul3A_130 = arith.constant 10240 : i32
    %mul3A_131 = arith.muli %arg1, %mul3A_130 : i32
    %add3A_132 = arith.constant 4608 : i32
    %add3A_133 = arith.addi %mul3A_131, %add3A_132 : i32
    %dma_start3A_134 = tpu.memref_slice %arg21[%add3A_133] : memref<163840xf32, #tpu.memory_space<vmem_shared>> -> memref<512xf32, #tpu.memory_space<vmem_shared>>
    %dma_start3A_135 = tpu.memref_slice %arg21[%add3A_133] : memref<163840xf32, #tpu.memory_space<vmem_shared>> -> memref<512xf32, #tpu.memory_space<vmem_shared>>
    tpu.enqueue_dma source(%arg19 : memref<512xf32, #tpu.memory_space<vmem>>) target(%dma_start3A_135 : memref<512xf32, #tpu.memory_space<vmem_shared>>) target_semaphore(%arg23 : memref<!tpu.dma_semaphore, #tpu.memory_space<semaphore_mem>>)
    %mul3A_136 = arith.constant 10240 : i32
    %mul3A_137 = arith.muli %arg1, %mul3A_136 : i32
    %add3A_138 = arith.constant 5120 : i32
    %add3A_139 = arith.addi %mul3A_137, %add3A_138 : i32
    %dma_start3A_140 = tpu.memref_slice %arg21[%add3A_139] : memref<163840xf32, #tpu.memory_space<vmem_shared>> -> memref<512xf32, #tpu.memory_space<vmem_shared>>
    %dma_start3A_141 = tpu.memref_slice %arg21[%add3A_139] : memref<163840xf32, #tpu.memory_space<vmem_shared>> -> memref<512xf32, #tpu.memory_space<vmem_shared>>
    tpu.enqueue_dma source(%arg19 : memref<512xf32, #tpu.memory_space<vmem>>) target(%dma_start3A_141 : memref<512xf32, #tpu.memory_space<vmem_shared>>) target_semaphore(%arg23 : memref<!tpu.dma_semaphore, #tpu.memory_space<semaphore_mem>>)
    %mul3A_142 = arith.constant 10240 : i32
    %mul3A_143 = arith.muli %arg1, %mul3A_142 : i32
    %add3A_144 = arith.constant 5632 : i32
    %add3A_145 = arith.addi %mul3A_143, %add3A_144 : i32
    %dma_start3A_146 = tpu.memref_slice %arg21[%add3A_145] : memref<163840xf32, #tpu.memory_space<vmem_shared>> -> memref<512xf32, #tpu.memory_space<vmem_shared>>
    %dma_start3A_147 = tpu.memref_slice %arg21[%add3A_145] : memref<163840xf32, #tpu.memory_space<vmem_shared>> -> memref<512xf32, #tpu.memory_space<vmem_shared>>
    tpu.enqueue_dma source(%arg19 : memref<512xf32, #tpu.memory_space<vmem>>) target(%dma_start3A_147 : memref<512xf32, #tpu.memory_space<vmem_shared>>) target_semaphore(%arg23 : memref<!tpu.dma_semaphore, #tpu.memory_space<semaphore_mem>>)
    %mul3A_148 = arith.constant 10240 : i32
    %mul3A_149 = arith.muli %arg1, %mul3A_148 : i32
    %add3A_150 = arith.constant 6144 : i32
    %add3A_151 = arith.addi %mul3A_149, %add3A_150 : i32
    %dma_start3A_152 = tpu.memref_slice %arg21[%add3A_151] : memref<163840xf32, #tpu.memory_space<vmem_shared>> -> memref<512xf32, #tpu.memory_space<vmem_shared>>
    %dma_start3A_153 = tpu.memref_slice %arg21[%add3A_151] : memref<163840xf32, #tpu.memory_space<vmem_shared>> -> memref<512xf32, #tpu.memory_space<vmem_shared>>
    tpu.enqueue_dma source(%arg19 : memref<512xf32, #tpu.memory_space<vmem>>) target(%dma_start3A_153 : memref<512xf32, #tpu.memory_space<vmem_shared>>) target_semaphore(%arg23 : memref<!tpu.dma_semaphore, #tpu.memory_space<semaphore_mem>>)
    %mul3A_154 = arith.constant 10240 : i32
    %mul3A_155 = arith.muli %arg1, %mul3A_154 : i32
    %add3A_156 = arith.constant 6656 : i32
    %add3A_157 = arith.addi %mul3A_155, %add3A_156 : i32
    %dma_start3A_158 = tpu.memref_slice %arg21[%add3A_157] : memref<163840xf32, #tpu.memory_space<vmem_shared>> -> memref<512xf32, #tpu.memory_space<vmem_shared>>
    %dma_start3A_159 = tpu.memref_slice %arg21[%add3A_157] : memref<163840xf32, #tpu.memory_space<vmem_shared>> -> memref<512xf32, #tpu.memory_space<vmem_shared>>
    tpu.enqueue_dma source(%arg19 : memref<512xf32, #tpu.memory_space<vmem>>) target(%dma_start3A_159 : memref<512xf32, #tpu.memory_space<vmem_shared>>) target_semaphore(%arg23 : memref<!tpu.dma_semaphore, #tpu.memory_space<semaphore_mem>>)
    %mul3A_160 = arith.constant 10240 : i32
    %mul3A_161 = arith.muli %arg1, %mul3A_160 : i32
    %add3A_162 = arith.constant 7168 : i32
    %add3A_163 = arith.addi %mul3A_161, %add3A_162 : i32
    %dma_start3A_164 = tpu.memref_slice %arg21[%add3A_163] : memref<163840xf32, #tpu.memory_space<vmem_shared>> -> memref<512xf32, #tpu.memory_space<vmem_shared>>
    %dma_start3A_165 = tpu.memref_slice %arg21[%add3A_163] : memref<163840xf32, #tpu.memory_space<vmem_shared>> -> memref<512xf32, #tpu.memory_space<vmem_shared>>
    tpu.enqueue_dma source(%arg19 : memref<512xf32, #tpu.memory_space<vmem>>) target(%dma_start3A_165 : memref<512xf32, #tpu.memory_space<vmem_shared>>) target_semaphore(%arg23 : memref<!tpu.dma_semaphore, #tpu.memory_space<semaphore_mem>>)
    %mul3A_166 = arith.constant 10240 : i32
    %mul3A_167 = arith.muli %arg1, %mul3A_166 : i32
    %add3A_168 = arith.constant 7680 : i32
    %add3A_169 = arith.addi %mul3A_167, %add3A_168 : i32
    %dma_start3A_170 = tpu.memref_slice %arg21[%add3A_169] : memref<163840xf32, #tpu.memory_space<vmem_shared>> -> memref<512xf32, #tpu.memory_space<vmem_shared>>
    %dma_start3A_171 = tpu.memref_slice %arg21[%add3A_169] : memref<163840xf32, #tpu.memory_space<vmem_shared>> -> memref<512xf32, #tpu.memory_space<vmem_shared>>
    tpu.enqueue_dma source(%arg19 : memref<512xf32, #tpu.memory_space<vmem>>) target(%dma_start3A_171 : memref<512xf32, #tpu.memory_space<vmem_shared>>) target_semaphore(%arg23 : memref<!tpu.dma_semaphore, #tpu.memory_space<semaphore_mem>>)
    %mul3A_172 = arith.constant 10240 : i32
    %mul3A_173 = arith.muli %arg1, %mul3A_172 : i32
    %add3A_174 = arith.constant 8192 : i32
    %add3A_175 = arith.addi %mul3A_173, %add3A_174 : i32
    %dma_start3A_176 = tpu.memref_slice %arg21[%add3A_175] : memref<163840xf32, #tpu.memory_space<vmem_shared>> -> memref<512xf32, #tpu.memory_space<vmem_shared>>
    %dma_start3A_177 = tpu.memref_slice %arg21[%add3A_175] : memref<163840xf32, #tpu.memory_space<vmem_shared>> -> memref<512xf32, #tpu.memory_space<vmem_shared>>
    tpu.enqueue_dma source(%arg19 : memref<512xf32, #tpu.memory_space<vmem>>) target(%dma_start3A_177 : memref<512xf32, #tpu.memory_space<vmem_shared>>) target_semaphore(%arg23 : memref<!tpu.dma_semaphore, #tpu.memory_space<semaphore_mem>>)
    %mul3A_178 = arith.constant 10240 : i32
    %mul3A_179 = arith.muli %arg1, %mul3A_178 : i32
    %add3A_180 = arith.constant 8704 : i32
    %add3A_181 = arith.addi %mul3A_179, %add3A_180 : i32
    %dma_start3A_182 = tpu.memref_slice %arg21[%add3A_181] : memref<163840xf32, #tpu.memory_space<vmem_shared>> -> memref<512xf32, #tpu.memory_space<vmem_shared>>
    %dma_start3A_183 = tpu.memref_slice %arg21[%add3A_181] : memref<163840xf32, #tpu.memory_space<vmem_shared>> -> memref<512xf32, #tpu.memory_space<vmem_shared>>
    tpu.enqueue_dma source(%arg19 : memref<512xf32, #tpu.memory_space<vmem>>) target(%dma_start3A_183 : memref<512xf32, #tpu.memory_space<vmem_shared>>) target_semaphore(%arg23 : memref<!tpu.dma_semaphore, #tpu.memory_space<semaphore_mem>>)
    %mul3A_184 = arith.constant 10240 : i32
    %mul3A_185 = arith.muli %arg1, %mul3A_184 : i32
    %add3A_186 = arith.constant 9216 : i32
    %add3A_187 = arith.addi %mul3A_185, %add3A_186 : i32
    %dma_start3A_188 = tpu.memref_slice %arg21[%add3A_187] : memref<163840xf32, #tpu.memory_space<vmem_shared>> -> memref<512xf32, #tpu.memory_space<vmem_shared>>
    %dma_start3A_189 = tpu.memref_slice %arg21[%add3A_187] : memref<163840xf32, #tpu.memory_space<vmem_shared>> -> memref<512xf32, #tpu.memory_space<vmem_shared>>
    tpu.enqueue_dma source(%arg19 : memref<512xf32, #tpu.memory_space<vmem>>) target(%dma_start3A_189 : memref<512xf32, #tpu.memory_space<vmem_shared>>) target_semaphore(%arg23 : memref<!tpu.dma_semaphore, #tpu.memory_space<semaphore_mem>>)
    %mul3A_190 = arith.constant 10240 : i32
    %mul3A_191 = arith.muli %arg1, %mul3A_190 : i32
    %add3A_192 = arith.constant 9728 : i32
    %add3A_193 = arith.addi %mul3A_191, %add3A_192 : i32
    %dma_start3A_194 = tpu.memref_slice %arg21[%add3A_193] : memref<163840xf32, #tpu.memory_space<vmem_shared>> -> memref<512xf32, #tpu.memory_space<vmem_shared>>
    %dma_start3A_195 = tpu.memref_slice %arg21[%add3A_193] : memref<163840xf32, #tpu.memory_space<vmem_shared>> -> memref<512xf32, #tpu.memory_space<vmem_shared>>
    tpu.enqueue_dma source(%arg19 : memref<512xf32, #tpu.memory_space<vmem>>) target(%dma_start3A_195 : memref<512xf32, #tpu.memory_space<vmem_shared>>) target_semaphore(%arg23 : memref<!tpu.dma_semaphore, #tpu.memory_space<semaphore_mem>>)
    %dma_start3A_196 = arith.constant 0 : i32
    %dma_start3A_197 = arith.constant 0 : i32
    %dma_start3A_198 = tpu.memref_slice %arg2[%add3A, %dma_start3A_196, %dma_start3A_197] : memref<32x64x80xi32, #tpu.memory_space<hbm>> -> memref<1x64x80xi32, #tpu.memory_space<hbm>>
    %dma_start3A_199 = tpu.memref_squeeze %dma_start3A_198 : memref<1x64x80xi32, #tpu.memory_space<hbm>> -> memref<64x80xi32, #tpu.memory_space<hbm>>
    %dma_start3A_200 = arith.constant 0 : i32
    %dma_start3A_201 = arith.constant 0 : i32
    %dma_start3A_202 = tpu.memref_slice %arg2[%add3A, %dma_start3A_200, %dma_start3A_201] : memref<32x64x80xi32, #tpu.memory_space<hbm>> -> memref<1x64x80xi32, #tpu.memory_space<hbm>>
    %dma_start3A_203 = tpu.memref_squeeze %dma_start3A_202 : memref<1x64x80xi32, #tpu.memory_space<hbm>> -> memref<64x80xi32, #tpu.memory_space<hbm>>
    tpu.enqueue_dma source(%dma_start3A_203 : memref<64x80xi32, #tpu.memory_space<hbm>>) target(%arg9 : memref<64x80xi32, #tpu.memory_space<vmem>>) target_semaphore(%arg24 : memref<!tpu.dma_semaphore, #tpu.memory_space<semaphore_mem>>)
    %dma_start3A_204 = arith.constant 0 : i32
    %dma_start3A_205 = arith.constant 0 : i32
    %dma_start3A_206 = tpu.memref_slice %arg3[%add3A, %dma_start3A_204, %dma_start3A_205] : memref<32x64x80xi32, #tpu.memory_space<hbm>> -> memref<1x64x80xi32, #tpu.memory_space<hbm>>
    %dma_start3A_207 = tpu.memref_squeeze %dma_start3A_206 : memref<1x64x80xi32, #tpu.memory_space<hbm>> -> memref<64x80xi32, #tpu.memory_space<hbm>>
    %dma_start3A_208 = arith.constant 0 : i32
    %dma_start3A_209 = arith.constant 0 : i32
    %dma_start3A_210 = tpu.memref_slice %arg3[%add3A, %dma_start3A_208, %dma_start3A_209] : memref<32x64x80xi32, #tpu.memory_space<hbm>> -> memref<1x64x80xi32, #tpu.memory_space<hbm>>
    %dma_start3A_211 = tpu.memref_squeeze %dma_start3A_210 : memref<1x64x80xi32, #tpu.memory_space<hbm>> -> memref<64x80xi32, #tpu.memory_space<hbm>>
    tpu.enqueue_dma source(%dma_start3A_211 : memref<64x80xi32, #tpu.memory_space<hbm>>) target(%arg10 : memref<64x80xi32, #tpu.memory_space<vmem>>) target_semaphore(%arg25 : memref<!tpu.dma_semaphore, #tpu.memory_space<semaphore_mem>>)
    %mul3A_212 = arith.constant 640 : i32
    %mul3A_213 = arith.muli %arg1, %mul3A_212 : i32
    %add3A_214 = arith.constant 0 : i32
    %add3A_215 = arith.addi %mul3A_213, %add3A_214 : i32
    %dma_wait3A = arith.constant 0 : i32
    %dma_wait3A_216 = tpu.memref_slice %arg20[%add3A_215, %dma_wait3A] : memref<10240x128xf32, #tpu.memory_space<vmem_shared>> -> memref<80x128xf32, #tpu.memory_space<vmem_shared>>
    %dma_wait3A_217 = arith.constant 0 : i32
    %dma_wait3A_218 = tpu.memref_slice %arg20[%add3A_215, %dma_wait3A_217] : memref<10240x128xf32, #tpu.memory_space<vmem_shared>> -> memref<80x128xf32, #tpu.memory_space<vmem_shared>>
    tpu.wait_dma2 semaphore(%arg22 : memref<!tpu.dma_semaphore, #tpu.memory_space<semaphore_mem>>) src(%arg11 : memref<80x128xf32, #tpu.memory_space<vmem>>) dst(%dma_wait3A_218 : memref<80x128xf32, #tpu.memory_space<vmem_shared>>)
    %mul3A_219 = arith.constant 640 : i32
    %mul3A_220 = arith.muli %arg1, %mul3A_219 : i32
    %add3A_221 = arith.constant 80 : i32
    %add3A_222 = arith.addi %mul3A_220, %add3A_221 : i32
    %dma_wait3A_223 = arith.constant 0 : i32
    %dma_wait3A_224 = tpu.memref_slice %arg20[%add3A_222, %dma_wait3A_223] : memref<10240x128xf32, #tpu.memory_space<vmem_shared>> -> memref<80x128xf32, #tpu.memory_space<vmem_shared>>
    %dma_wait3A_225 = arith.constant 0 : i32
    %dma_wait3A_226 = tpu.memref_slice %arg20[%add3A_222, %dma_wait3A_225] : memref<10240x128xf32, #tpu.memory_space<vmem_shared>> -> memref<80x128xf32, #tpu.memory_space<vmem_shared>>
    tpu.wait_dma2 semaphore(%arg22 : memref<!tpu.dma_semaphore, #tpu.memory_space<semaphore_mem>>) src(%arg11 : memref<80x128xf32, #tpu.memory_space<vmem>>) dst(%dma_wait3A_226 : memref<80x128xf32, #tpu.memory_space<vmem_shared>>)
    %mul3A_227 = arith.constant 640 : i32
    %mul3A_228 = arith.muli %arg1, %mul3A_227 : i32
    %add3A_229 = arith.constant 160 : i32
    %add3A_230 = arith.addi %mul3A_228, %add3A_229 : i32
    %dma_wait3A_231 = arith.constant 0 : i32
    %dma_wait3A_232 = tpu.memref_slice %arg20[%add3A_230, %dma_wait3A_231] : memref<10240x128xf32, #tpu.memory_space<vmem_shared>> -> memref<80x128xf32, #tpu.memory_space<vmem_shared>>
    %dma_wait3A_233 = arith.constant 0 : i32
    %dma_wait3A_234 = tpu.memref_slice %arg20[%add3A_230, %dma_wait3A_233] : memref<10240x128xf32, #tpu.memory_space<vmem_shared>> -> memref<80x128xf32, #tpu.memory_space<vmem_shared>>
    tpu.wait_dma2 semaphore(%arg22 : memref<!tpu.dma_semaphore, #tpu.memory_space<semaphore_mem>>) src(%arg11 : memref<80x128xf32, #tpu.memory_space<vmem>>) dst(%dma_wait3A_234 : memref<80x128xf32, #tpu.memory_space<vmem_shared>>)
    %mul3A_235 = arith.constant 640 : i32
    %mul3A_236 = arith.muli %arg1, %mul3A_235 : i32
    %add3A_237 = arith.constant 240 : i32
    %add3A_238 = arith.addi %mul3A_236, %add3A_237 : i32
    %dma_wait3A_239 = arith.constant 0 : i32
    %dma_wait3A_240 = tpu.memref_slice %arg20[%add3A_238, %dma_wait3A_239] : memref<10240x128xf32, #tpu.memory_space<vmem_shared>> -> memref<80x128xf32, #tpu.memory_space<vmem_shared>>
    %dma_wait3A_241 = arith.constant 0 : i32
    %dma_wait3A_242 = tpu.memref_slice %arg20[%add3A_238, %dma_wait3A_241] : memref<10240x128xf32, #tpu.memory_space<vmem_shared>> -> memref<80x128xf32, #tpu.memory_space<vmem_shared>>
    tpu.wait_dma2 semaphore(%arg22 : memref<!tpu.dma_semaphore, #tpu.memory_space<semaphore_mem>>) src(%arg11 : memref<80x128xf32, #tpu.memory_space<vmem>>) dst(%dma_wait3A_242 : memref<80x128xf32, #tpu.memory_space<vmem_shared>>)
    %mul3A_243 = arith.constant 640 : i32
    %mul3A_244 = arith.muli %arg1, %mul3A_243 : i32
    %add3A_245 = arith.constant 320 : i32
    %add3A_246 = arith.addi %mul3A_244, %add3A_245 : i32
    %dma_wait3A_247 = arith.constant 0 : i32
    %dma_wait3A_248 = tpu.memref_slice %arg20[%add3A_246, %dma_wait3A_247] : memref<10240x128xf32, #tpu.memory_space<vmem_shared>> -> memref<80x128xf32, #tpu.memory_space<vmem_shared>>
    %dma_wait3A_249 = arith.constant 0 : i32
    %dma_wait3A_250 = tpu.memref_slice %arg20[%add3A_246, %dma_wait3A_249] : memref<10240x128xf32, #tpu.memory_space<vmem_shared>> -> memref<80x128xf32, #tpu.memory_space<vmem_shared>>
    tpu.wait_dma2 semaphore(%arg22 : memref<!tpu.dma_semaphore, #tpu.memory_space<semaphore_mem>>) src(%arg11 : memref<80x128xf32, #tpu.memory_space<vmem>>) dst(%dma_wait3A_250 : memref<80x128xf32, #tpu.memory_space<vmem_shared>>)
    %mul3A_251 = arith.constant 640 : i32
    %mul3A_252 = arith.muli %arg1, %mul3A_251 : i32
    %add3A_253 = arith.constant 400 : i32
    %add3A_254 = arith.addi %mul3A_252, %add3A_253 : i32
    %dma_wait3A_255 = arith.constant 0 : i32
    %dma_wait3A_256 = tpu.memref_slice %arg20[%add3A_254, %dma_wait3A_255] : memref<10240x128xf32, #tpu.memory_space<vmem_shared>> -> memref<80x128xf32, #tpu.memory_space<vmem_shared>>
    %dma_wait3A_257 = arith.constant 0 : i32
    %dma_wait3A_258 = tpu.memref_slice %arg20[%add3A_254, %dma_wait3A_257] : memref<10240x128xf32, #tpu.memory_space<vmem_shared>> -> memref<80x128xf32, #tpu.memory_space<vmem_shared>>
    tpu.wait_dma2 semaphore(%arg22 : memref<!tpu.dma_semaphore, #tpu.memory_space<semaphore_mem>>) src(%arg11 : memref<80x128xf32, #tpu.memory_space<vmem>>) dst(%dma_wait3A_258 : memref<80x128xf32, #tpu.memory_space<vmem_shared>>)
    %mul3A_259 = arith.constant 640 : i32
    %mul3A_260 = arith.muli %arg1, %mul3A_259 : i32
    %add3A_261 = arith.constant 480 : i32
    %add3A_262 = arith.addi %mul3A_260, %add3A_261 : i32
    %dma_wait3A_263 = arith.constant 0 : i32
    %dma_wait3A_264 = tpu.memref_slice %arg20[%add3A_262, %dma_wait3A_263] : memref<10240x128xf32, #tpu.memory_space<vmem_shared>> -> memref<80x128xf32, #tpu.memory_space<vmem_shared>>
    %dma_wait3A_265 = arith.constant 0 : i32
    %dma_wait3A_266 = tpu.memref_slice %arg20[%add3A_262, %dma_wait3A_265] : memref<10240x128xf32, #tpu.memory_space<vmem_shared>> -> memref<80x128xf32, #tpu.memory_space<vmem_shared>>
    tpu.wait_dma2 semaphore(%arg22 : memref<!tpu.dma_semaphore, #tpu.memory_space<semaphore_mem>>) src(%arg11 : memref<80x128xf32, #tpu.memory_space<vmem>>) dst(%dma_wait3A_266 : memref<80x128xf32, #tpu.memory_space<vmem_shared>>)
    %mul3A_267 = arith.constant 640 : i32
    %mul3A_268 = arith.muli %arg1, %mul3A_267 : i32
    %add3A_269 = arith.constant 560 : i32
    %add3A_270 = arith.addi %mul3A_268, %add3A_269 : i32
    %dma_wait3A_271 = arith.constant 0 : i32
    %dma_wait3A_272 = tpu.memref_slice %arg20[%add3A_270, %dma_wait3A_271] : memref<10240x128xf32, #tpu.memory_space<vmem_shared>> -> memref<80x128xf32, #tpu.memory_space<vmem_shared>>
    %dma_wait3A_273 = arith.constant 0 : i32
    %dma_wait3A_274 = tpu.memref_slice %arg20[%add3A_270, %dma_wait3A_273] : memref<10240x128xf32, #tpu.memory_space<vmem_shared>> -> memref<80x128xf32, #tpu.memory_space<vmem_shared>>
    tpu.wait_dma2 semaphore(%arg22 : memref<!tpu.dma_semaphore, #tpu.memory_space<semaphore_mem>>) src(%arg11 : memref<80x128xf32, #tpu.memory_space<vmem>>) dst(%dma_wait3A_274 : memref<80x128xf32, #tpu.memory_space<vmem_shared>>)
    %mul3A_275 = arith.constant 10240 : i32
    %mul3A_276 = arith.muli %arg1, %mul3A_275 : i32
    %add3A_277 = arith.constant 0 : i32
    %add3A_278 = arith.addi %mul3A_276, %add3A_277 : i32
    %dma_wait3A_279 = tpu.memref_slice %arg21[%add3A_278] : memref<163840xf32, #tpu.memory_space<vmem_shared>> -> memref<512xf32, #tpu.memory_space<vmem_shared>>
    %dma_wait3A_280 = tpu.memref_slice %arg21[%add3A_278] : memref<163840xf32, #tpu.memory_space<vmem_shared>> -> memref<512xf32, #tpu.memory_space<vmem_shared>>
    tpu.wait_dma2 semaphore(%arg23 : memref<!tpu.dma_semaphore, #tpu.memory_space<semaphore_mem>>) src(%arg19 : memref<512xf32, #tpu.memory_space<vmem>>) dst(%dma_wait3A_280 : memref<512xf32, #tpu.memory_space<vmem_shared>>)
    %mul3A_281 = arith.constant 10240 : i32
    %mul3A_282 = arith.muli %arg1, %mul3A_281 : i32
    %add3A_283 = arith.constant 512 : i32
    %add3A_284 = arith.addi %mul3A_282, %add3A_283 : i32
    %dma_wait3A_285 = tpu.memref_slice %arg21[%add3A_284] : memref<163840xf32, #tpu.memory_space<vmem_shared>> -> memref<512xf32, #tpu.memory_space<vmem_shared>>
    %dma_wait3A_286 = tpu.memref_slice %arg21[%add3A_284] : memref<163840xf32, #tpu.memory_space<vmem_shared>> -> memref<512xf32, #tpu.memory_space<vmem_shared>>
    tpu.wait_dma2 semaphore(%arg23 : memref<!tpu.dma_semaphore, #tpu.memory_space<semaphore_mem>>) src(%arg19 : memref<512xf32, #tpu.memory_space<vmem>>) dst(%dma_wait3A_286 : memref<512xf32, #tpu.memory_space<vmem_shared>>)
    %mul3A_287 = arith.constant 10240 : i32
    %mul3A_288 = arith.muli %arg1, %mul3A_287 : i32
    %add3A_289 = arith.constant 1024 : i32
    %add3A_290 = arith.addi %mul3A_288, %add3A_289 : i32
    %dma_wait3A_291 = tpu.memref_slice %arg21[%add3A_290] : memref<163840xf32, #tpu.memory_space<vmem_shared>> -> memref<512xf32, #tpu.memory_space<vmem_shared>>
    %dma_wait3A_292 = tpu.memref_slice %arg21[%add3A_290] : memref<163840xf32, #tpu.memory_space<vmem_shared>> -> memref<512xf32, #tpu.memory_space<vmem_shared>>
    tpu.wait_dma2 semaphore(%arg23 : memref<!tpu.dma_semaphore, #tpu.memory_space<semaphore_mem>>) src(%arg19 : memref<512xf32, #tpu.memory_space<vmem>>) dst(%dma_wait3A_292 : memref<512xf32, #tpu.memory_space<vmem_shared>>)
    %mul3A_293 = arith.constant 10240 : i32
    %mul3A_294 = arith.muli %arg1, %mul3A_293 : i32
    %add3A_295 = arith.constant 1536 : i32
    %add3A_296 = arith.addi %mul3A_294, %add3A_295 : i32
    %dma_wait3A_297 = tpu.memref_slice %arg21[%add3A_296] : memref<163840xf32, #tpu.memory_space<vmem_shared>> -> memref<512xf32, #tpu.memory_space<vmem_shared>>
    %dma_wait3A_298 = tpu.memref_slice %arg21[%add3A_296] : memref<163840xf32, #tpu.memory_space<vmem_shared>> -> memref<512xf32, #tpu.memory_space<vmem_shared>>
    tpu.wait_dma2 semaphore(%arg23 : memref<!tpu.dma_semaphore, #tpu.memory_space<semaphore_mem>>) src(%arg19 : memref<512xf32, #tpu.memory_space<vmem>>) dst(%dma_wait3A_298 : memref<512xf32, #tpu.memory_space<vmem_shared>>)
    %mul3A_299 = arith.constant 10240 : i32
    %mul3A_300 = arith.muli %arg1, %mul3A_299 : i32
    %add3A_301 = arith.constant 2048 : i32
    %add3A_302 = arith.addi %mul3A_300, %add3A_301 : i32
    %dma_wait3A_303 = tpu.memref_slice %arg21[%add3A_302] : memref<163840xf32, #tpu.memory_space<vmem_shared>> -> memref<512xf32, #tpu.memory_space<vmem_shared>>
    %dma_wait3A_304 = tpu.memref_slice %arg21[%add3A_302] : memref<163840xf32, #tpu.memory_space<vmem_shared>> -> memref<512xf32, #tpu.memory_space<vmem_shared>>
    tpu.wait_dma2 semaphore(%arg23 : memref<!tpu.dma_semaphore, #tpu.memory_space<semaphore_mem>>) src(%arg19 : memref<512xf32, #tpu.memory_space<vmem>>) dst(%dma_wait3A_304 : memref<512xf32, #tpu.memory_space<vmem_shared>>)
    %mul3A_305 = arith.constant 10240 : i32
    %mul3A_306 = arith.muli %arg1, %mul3A_305 : i32
    %add3A_307 = arith.constant 2560 : i32
    %add3A_308 = arith.addi %mul3A_306, %add3A_307 : i32
    %dma_wait3A_309 = tpu.memref_slice %arg21[%add3A_308] : memref<163840xf32, #tpu.memory_space<vmem_shared>> -> memref<512xf32, #tpu.memory_space<vmem_shared>>
    %dma_wait3A_310 = tpu.memref_slice %arg21[%add3A_308] : memref<163840xf32, #tpu.memory_space<vmem_shared>> -> memref<512xf32, #tpu.memory_space<vmem_shared>>
    tpu.wait_dma2 semaphore(%arg23 : memref<!tpu.dma_semaphore, #tpu.memory_space<semaphore_mem>>) src(%arg19 : memref<512xf32, #tpu.memory_space<vmem>>) dst(%dma_wait3A_310 : memref<512xf32, #tpu.memory_space<vmem_shared>>)
    %mul3A_311 = arith.constant 10240 : i32
    %mul3A_312 = arith.muli %arg1, %mul3A_311 : i32
    %add3A_313 = arith.constant 3072 : i32
    %add3A_314 = arith.addi %mul3A_312, %add3A_313 : i32
    %dma_wait3A_315 = tpu.memref_slice %arg21[%add3A_314] : memref<163840xf32, #tpu.memory_space<vmem_shared>> -> memref<512xf32, #tpu.memory_space<vmem_shared>>
    %dma_wait3A_316 = tpu.memref_slice %arg21[%add3A_314] : memref<163840xf32, #tpu.memory_space<vmem_shared>> -> memref<512xf32, #tpu.memory_space<vmem_shared>>
    tpu.wait_dma2 semaphore(%arg23 : memref<!tpu.dma_semaphore, #tpu.memory_space<semaphore_mem>>) src(%arg19 : memref<512xf32, #tpu.memory_space<vmem>>) dst(%dma_wait3A_316 : memref<512xf32, #tpu.memory_space<vmem_shared>>)
    %mul3A_317 = arith.constant 10240 : i32
    %mul3A_318 = arith.muli %arg1, %mul3A_317 : i32
    %add3A_319 = arith.constant 3584 : i32
    %add3A_320 = arith.addi %mul3A_318, %add3A_319 : i32
    %dma_wait3A_321 = tpu.memref_slice %arg21[%add3A_320] : memref<163840xf32, #tpu.memory_space<vmem_shared>> -> memref<512xf32, #tpu.memory_space<vmem_shared>>
    %dma_wait3A_322 = tpu.memref_slice %arg21[%add3A_320] : memref<163840xf32, #tpu.memory_space<vmem_shared>> -> memref<512xf32, #tpu.memory_space<vmem_shared>>
    tpu.wait_dma2 semaphore(%arg23 : memref<!tpu.dma_semaphore, #tpu.memory_space<semaphore_mem>>) src(%arg19 : memref<512xf32, #tpu.memory_space<vmem>>) dst(%dma_wait3A_322 : memref<512xf32, #tpu.memory_space<vmem_shared>>)
    %mul3A_323 = arith.constant 10240 : i32
    %mul3A_324 = arith.muli %arg1, %mul3A_323 : i32
    %add3A_325 = arith.constant 4096 : i32
    %add3A_326 = arith.addi %mul3A_324, %add3A_325 : i32
    %dma_wait3A_327 = tpu.memref_slice %arg21[%add3A_326] : memref<163840xf32, #tpu.memory_space<vmem_shared>> -> memref<512xf32, #tpu.memory_space<vmem_shared>>
    %dma_wait3A_328 = tpu.memref_slice %arg21[%add3A_326] : memref<163840xf32, #tpu.memory_space<vmem_shared>> -> memref<512xf32, #tpu.memory_space<vmem_shared>>
    tpu.wait_dma2 semaphore(%arg23 : memref<!tpu.dma_semaphore, #tpu.memory_space<semaphore_mem>>) src(%arg19 : memref<512xf32, #tpu.memory_space<vmem>>) dst(%dma_wait3A_328 : memref<512xf32, #tpu.memory_space<vmem_shared>>)
    %mul3A_329 = arith.constant 10240 : i32
    %mul3A_330 = arith.muli %arg1, %mul3A_329 : i32
    %add3A_331 = arith.constant 4608 : i32
    %add3A_332 = arith.addi %mul3A_330, %add3A_331 : i32
    %dma_wait3A_333 = tpu.memref_slice %arg21[%add3A_332] : memref<163840xf32, #tpu.memory_space<vmem_shared>> -> memref<512xf32, #tpu.memory_space<vmem_shared>>
    %dma_wait3A_334 = tpu.memref_slice %arg21[%add3A_332] : memref<163840xf32, #tpu.memory_space<vmem_shared>> -> memref<512xf32, #tpu.memory_space<vmem_shared>>
    tpu.wait_dma2 semaphore(%arg23 : memref<!tpu.dma_semaphore, #tpu.memory_space<semaphore_mem>>) src(%arg19 : memref<512xf32, #tpu.memory_space<vmem>>) dst(%dma_wait3A_334 : memref<512xf32, #tpu.memory_space<vmem_shared>>)
    %mul3A_335 = arith.constant 10240 : i32
    %mul3A_336 = arith.muli %arg1, %mul3A_335 : i32
    %add3A_337 = arith.constant 5120 : i32
    %add3A_338 = arith.addi %mul3A_336, %add3A_337 : i32
    %dma_wait3A_339 = tpu.memref_slice %arg21[%add3A_338] : memref<163840xf32, #tpu.memory_space<vmem_shared>> -> memref<512xf32, #tpu.memory_space<vmem_shared>>
    %dma_wait3A_340 = tpu.memref_slice %arg21[%add3A_338] : memref<163840xf32, #tpu.memory_space<vmem_shared>> -> memref<512xf32, #tpu.memory_space<vmem_shared>>
    tpu.wait_dma2 semaphore(%arg23 : memref<!tpu.dma_semaphore, #tpu.memory_space<semaphore_mem>>) src(%arg19 : memref<512xf32, #tpu.memory_space<vmem>>) dst(%dma_wait3A_340 : memref<512xf32, #tpu.memory_space<vmem_shared>>)
    %mul3A_341 = arith.constant 10240 : i32
    %mul3A_342 = arith.muli %arg1, %mul3A_341 : i32
    %add3A_343 = arith.constant 5632 : i32
    %add3A_344 = arith.addi %mul3A_342, %add3A_343 : i32
    %dma_wait3A_345 = tpu.memref_slice %arg21[%add3A_344] : memref<163840xf32, #tpu.memory_space<vmem_shared>> -> memref<512xf32, #tpu.memory_space<vmem_shared>>
    %dma_wait3A_346 = tpu.memref_slice %arg21[%add3A_344] : memref<163840xf32, #tpu.memory_space<vmem_shared>> -> memref<512xf32, #tpu.memory_space<vmem_shared>>
    tpu.wait_dma2 semaphore(%arg23 : memref<!tpu.dma_semaphore, #tpu.memory_space<semaphore_mem>>) src(%arg19 : memref<512xf32, #tpu.memory_space<vmem>>) dst(%dma_wait3A_346 : memref<512xf32, #tpu.memory_space<vmem_shared>>)
    %mul3A_347 = arith.constant 10240 : i32
    %mul3A_348 = arith.muli %arg1, %mul3A_347 : i32
    %add3A_349 = arith.constant 6144 : i32
    %add3A_350 = arith.addi %mul3A_348, %add3A_349 : i32
    %dma_wait3A_351 = tpu.memref_slice %arg21[%add3A_350] : memref<163840xf32, #tpu.memory_space<vmem_shared>> -> memref<512xf32, #tpu.memory_space<vmem_shared>>
    %dma_wait3A_352 = tpu.memref_slice %arg21[%add3A_350] : memref<163840xf32, #tpu.memory_space<vmem_shared>> -> memref<512xf32, #tpu.memory_space<vmem_shared>>
    tpu.wait_dma2 semaphore(%arg23 : memref<!tpu.dma_semaphore, #tpu.memory_space<semaphore_mem>>) src(%arg19 : memref<512xf32, #tpu.memory_space<vmem>>) dst(%dma_wait3A_352 : memref<512xf32, #tpu.memory_space<vmem_shared>>)
    %mul3A_353 = arith.constant 10240 : i32
    %mul3A_354 = arith.muli %arg1, %mul3A_353 : i32
    %add3A_355 = arith.constant 6656 : i32
    %add3A_356 = arith.addi %mul3A_354, %add3A_355 : i32
    %dma_wait3A_357 = tpu.memref_slice %arg21[%add3A_356] : memref<163840xf32, #tpu.memory_space<vmem_shared>> -> memref<512xf32, #tpu.memory_space<vmem_shared>>
    %dma_wait3A_358 = tpu.memref_slice %arg21[%add3A_356] : memref<163840xf32, #tpu.memory_space<vmem_shared>> -> memref<512xf32, #tpu.memory_space<vmem_shared>>
    tpu.wait_dma2 semaphore(%arg23 : memref<!tpu.dma_semaphore, #tpu.memory_space<semaphore_mem>>) src(%arg19 : memref<512xf32, #tpu.memory_space<vmem>>) dst(%dma_wait3A_358 : memref<512xf32, #tpu.memory_space<vmem_shared>>)
    %mul3A_359 = arith.constant 10240 : i32
    %mul3A_360 = arith.muli %arg1, %mul3A_359 : i32
    %add3A_361 = arith.constant 7168 : i32
    %add3A_362 = arith.addi %mul3A_360, %add3A_361 : i32
    %dma_wait3A_363 = tpu.memref_slice %arg21[%add3A_362] : memref<163840xf32, #tpu.memory_space<vmem_shared>> -> memref<512xf32, #tpu.memory_space<vmem_shared>>
    %dma_wait3A_364 = tpu.memref_slice %arg21[%add3A_362] : memref<163840xf32, #tpu.memory_space<vmem_shared>> -> memref<512xf32, #tpu.memory_space<vmem_shared>>
    tpu.wait_dma2 semaphore(%arg23 : memref<!tpu.dma_semaphore, #tpu.memory_space<semaphore_mem>>) src(%arg19 : memref<512xf32, #tpu.memory_space<vmem>>) dst(%dma_wait3A_364 : memref<512xf32, #tpu.memory_space<vmem_shared>>)
    %mul3A_365 = arith.constant 10240 : i32
    %mul3A_366 = arith.muli %arg1, %mul3A_365 : i32
    %add3A_367 = arith.constant 7680 : i32
    %add3A_368 = arith.addi %mul3A_366, %add3A_367 : i32
    %dma_wait3A_369 = tpu.memref_slice %arg21[%add3A_368] : memref<163840xf32, #tpu.memory_space<vmem_shared>> -> memref<512xf32, #tpu.memory_space<vmem_shared>>
    %dma_wait3A_370 = tpu.memref_slice %arg21[%add3A_368] : memref<163840xf32, #tpu.memory_space<vmem_shared>> -> memref<512xf32, #tpu.memory_space<vmem_shared>>
    tpu.wait_dma2 semaphore(%arg23 : memref<!tpu.dma_semaphore, #tpu.memory_space<semaphore_mem>>) src(%arg19 : memref<512xf32, #tpu.memory_space<vmem>>) dst(%dma_wait3A_370 : memref<512xf32, #tpu.memory_space<vmem_shared>>)
    %mul3A_371 = arith.constant 10240 : i32
    %mul3A_372 = arith.muli %arg1, %mul3A_371 : i32
    %add3A_373 = arith.constant 8192 : i32
    %add3A_374 = arith.addi %mul3A_372, %add3A_373 : i32
    %dma_wait3A_375 = tpu.memref_slice %arg21[%add3A_374] : memref<163840xf32, #tpu.memory_space<vmem_shared>> -> memref<512xf32, #tpu.memory_space<vmem_shared>>
    %dma_wait3A_376 = tpu.memref_slice %arg21[%add3A_374] : memref<163840xf32, #tpu.memory_space<vmem_shared>> -> memref<512xf32, #tpu.memory_space<vmem_shared>>
    tpu.wait_dma2 semaphore(%arg23 : memref<!tpu.dma_semaphore, #tpu.memory_space<semaphore_mem>>) src(%arg19 : memref<512xf32, #tpu.memory_space<vmem>>) dst(%dma_wait3A_376 : memref<512xf32, #tpu.memory_space<vmem_shared>>)
    %mul3A_377 = arith.constant 10240 : i32
    %mul3A_378 = arith.muli %arg1, %mul3A_377 : i32
    %add3A_379 = arith.constant 8704 : i32
    %add3A_380 = arith.addi %mul3A_378, %add3A_379 : i32
    %dma_wait3A_381 = tpu.memref_slice %arg21[%add3A_380] : memref<163840xf32, #tpu.memory_space<vmem_shared>> -> memref<512xf32, #tpu.memory_space<vmem_shared>>
    %dma_wait3A_382 = tpu.memref_slice %arg21[%add3A_380] : memref<163840xf32, #tpu.memory_space<vmem_shared>> -> memref<512xf32, #tpu.memory_space<vmem_shared>>
    tpu.wait_dma2 semaphore(%arg23 : memref<!tpu.dma_semaphore, #tpu.memory_space<semaphore_mem>>) src(%arg19 : memref<512xf32, #tpu.memory_space<vmem>>) dst(%dma_wait3A_382 : memref<512xf32, #tpu.memory_space<vmem_shared>>)
    %mul3A_383 = arith.constant 10240 : i32
    %mul3A_384 = arith.muli %arg1, %mul3A_383 : i32
    %add3A_385 = arith.constant 9216 : i32
    %add3A_386 = arith.addi %mul3A_384, %add3A_385 : i32
    %dma_wait3A_387 = tpu.memref_slice %arg21[%add3A_386] : memref<163840xf32, #tpu.memory_space<vmem_shared>> -> memref<512xf32, #tpu.memory_space<vmem_shared>>
    %dma_wait3A_388 = tpu.memref_slice %arg21[%add3A_386] : memref<163840xf32, #tpu.memory_space<vmem_shared>> -> memref<512xf32, #tpu.memory_space<vmem_shared>>
    tpu.wait_dma2 semaphore(%arg23 : memref<!tpu.dma_semaphore, #tpu.memory_space<semaphore_mem>>) src(%arg19 : memref<512xf32, #tpu.memory_space<vmem>>) dst(%dma_wait3A_388 : memref<512xf32, #tpu.memory_space<vmem_shared>>)
    %mul3A_389 = arith.constant 10240 : i32
    %mul3A_390 = arith.muli %arg1, %mul3A_389 : i32
    %add3A_391 = arith.constant 9728 : i32
    %add3A_392 = arith.addi %mul3A_390, %add3A_391 : i32
    %dma_wait3A_393 = tpu.memref_slice %arg21[%add3A_392] : memref<163840xf32, #tpu.memory_space<vmem_shared>> -> memref<512xf32, #tpu.memory_space<vmem_shared>>
    %dma_wait3A_394 = tpu.memref_slice %arg21[%add3A_392] : memref<163840xf32, #tpu.memory_space<vmem_shared>> -> memref<512xf32, #tpu.memory_space<vmem_shared>>
    tpu.wait_dma2 semaphore(%arg23 : memref<!tpu.dma_semaphore, #tpu.memory_space<semaphore_mem>>) src(%arg19 : memref<512xf32, #tpu.memory_space<vmem>>) dst(%dma_wait3A_394 : memref<512xf32, #tpu.memory_space<vmem_shared>>)
    %dma_wait3A_395 = arith.constant 0 : i32
    %dma_wait3A_396 = arith.constant 0 : i32
    %dma_wait3A_397 = tpu.memref_slice %arg2[%add3A, %dma_wait3A_395, %dma_wait3A_396] : memref<32x64x80xi32, #tpu.memory_space<hbm>> -> memref<1x64x80xi32, #tpu.memory_space<hbm>>
    %dma_wait3A_398 = tpu.memref_squeeze %dma_wait3A_397 : memref<1x64x80xi32, #tpu.memory_space<hbm>> -> memref<64x80xi32, #tpu.memory_space<hbm>>
    %dma_wait3A_399 = arith.constant 0 : i32
    %dma_wait3A_400 = arith.constant 0 : i32
    %dma_wait3A_401 = tpu.memref_slice %arg2[%add3A, %dma_wait3A_399, %dma_wait3A_400] : memref<32x64x80xi32, #tpu.memory_space<hbm>> -> memref<1x64x80xi32, #tpu.memory_space<hbm>>
    %dma_wait3A_402 = tpu.memref_squeeze %dma_wait3A_401 : memref<1x64x80xi32, #tpu.memory_space<hbm>> -> memref<64x80xi32, #tpu.memory_space<hbm>>
    tpu.wait_dma2 semaphore(%arg24 : memref<!tpu.dma_semaphore, #tpu.memory_space<semaphore_mem>>) src(%dma_wait3A_402 : memref<64x80xi32, #tpu.memory_space<hbm>>) dst(%arg9 : memref<64x80xi32, #tpu.memory_space<vmem>>)
    %dma_wait3A_403 = arith.constant 0 : i32
    %dma_wait3A_404 = arith.constant 0 : i32
    %dma_wait3A_405 = tpu.memref_slice %arg3[%add3A, %dma_wait3A_403, %dma_wait3A_404] : memref<32x64x80xi32, #tpu.memory_space<hbm>> -> memref<1x64x80xi32, #tpu.memory_space<hbm>>
    %dma_wait3A_406 = tpu.memref_squeeze %dma_wait3A_405 : memref<1x64x80xi32, #tpu.memory_space<hbm>> -> memref<64x80xi32, #tpu.memory_space<hbm>>
    %dma_wait3A_407 = arith.constant 0 : i32
    %dma_wait3A_408 = arith.constant 0 : i32
    %dma_wait3A_409 = tpu.memref_slice %arg3[%add3A, %dma_wait3A_407, %dma_wait3A_408] : memref<32x64x80xi32, #tpu.memory_space<hbm>> -> memref<1x64x80xi32, #tpu.memory_space<hbm>>
    %dma_wait3A_410 = tpu.memref_squeeze %dma_wait3A_409 : memref<1x64x80xi32, #tpu.memory_space<hbm>> -> memref<64x80xi32, #tpu.memory_space<hbm>>
    tpu.wait_dma2 semaphore(%arg25 : memref<!tpu.dma_semaphore, #tpu.memory_space<semaphore_mem>>) src(%dma_wait3A_410 : memref<64x80xi32, #tpu.memory_space<hbm>>) dst(%arg10 : memref<64x80xi32, #tpu.memory_space<vmem>>)
    %barrier3A = arith.constant 0 : index
    tpu.barrier barrier_id(%barrier3A)
    %dma_start3A_411 = arith.constant 0 : i32
    %dma_start3A_412 = arith.constant 0 : i32
    %dma_start3A_413 = tpu.memref_slice %arg9[%dma_start3A_411, %dma_start3A_412] : memref<64x80xi32, #tpu.memory_space<vmem>> -> memref<1x80xi32, #tpu.memory_space<vmem>>
    %dma_start3A_414 = tpu.memref_squeeze %dma_start3A_413 : memref<1x80xi32, #tpu.memory_space<vmem>> -> memref<80xi32, #tpu.memory_space<vmem>>
    %dma_start3A_415 = arith.constant 0 : i32
    %dma_start3A_416 = arith.constant 0 : i32
    %dma_start3A_417 = tpu.memref_slice %arg4[%dma_start3A_415, %dma_start3A_416] : memref<10240x128xf32, #tpu.memory_space<hbm>> -> memref<10240x128xf32, #tpu.memory_space<hbm>>
    tpu.enqueue_indirect_dma source(%dma_start3A_417 : memref<10240x128xf32, #tpu.memory_space<hbm>>) target(%arg11 : memref<80x128xf32, #tpu.memory_space<vmem>>) offsets(%dma_start3A_414 : memref<80xi32, #tpu.memory_space<vmem>>) semaphore(%arg22 : memref<!tpu.dma_semaphore, #tpu.memory_space<semaphore_mem>>)
    %dma_start3A_418 = arith.constant 0 : i32
    %dma_start3A_419 = arith.constant 0 : i32
    %dma_start3A_420 = tpu.memref_slice %arg10[%dma_start3A_418, %dma_start3A_419] : memref<64x80xi32, #tpu.memory_space<vmem>> -> memref<1x80xi32, #tpu.memory_space<vmem>>
    %dma_start3A_421 = tpu.memref_squeeze %dma_start3A_420 : memref<1x80xi32, #tpu.memory_space<vmem>> -> memref<80xi32, #tpu.memory_space<vmem>>
    %dma_start3A_422 = arith.constant 0 : i32
    %dma_start3A_423 = tpu.memref_slice %arg5[%dma_start3A_422] : memref<10240xf32, #tpu.memory_space<hbm>> -> memref<10240xf32, #tpu.memory_space<hbm>>
    tpu.enqueue_indirect_dma source(%dma_start3A_423 : memref<10240xf32, #tpu.memory_space<hbm>>) target(%arg13 : memref<80xf32, #tpu.memory_space<vmem>>) offsets(%dma_start3A_421 : memref<80xi32, #tpu.memory_space<vmem>>) semaphore(%arg24 : memref<!tpu.dma_semaphore, #tpu.memory_space<semaphore_mem>>)
    %dma_start3A_424 = arith.constant 0 : i32
    %dma_start3A_425 = arith.constant 0 : i32
    %dma_start3A_426 = tpu.memref_slice %arg10[%dma_start3A_424, %dma_start3A_425] : memref<64x80xi32, #tpu.memory_space<vmem>> -> memref<1x80xi32, #tpu.memory_space<vmem>>
    %dma_start3A_427 = tpu.memref_squeeze %dma_start3A_426 : memref<1x80xi32, #tpu.memory_space<vmem>> -> memref<80xi32, #tpu.memory_space<vmem>>
    %dma_start3A_428 = arith.constant 0 : i32
    %dma_start3A_429 = tpu.memref_slice %arg6[%dma_start3A_428] : memref<10240xi32, #tpu.memory_space<hbm>> -> memref<10240xi32, #tpu.memory_space<hbm>>
    tpu.enqueue_indirect_dma source(%dma_start3A_429 : memref<10240xi32, #tpu.memory_space<hbm>>) target(%arg15 : memref<80xi32, #tpu.memory_space<vmem>>) offsets(%dma_start3A_427 : memref<80xi32, #tpu.memory_space<vmem>>) semaphore(%arg24 : memref<!tpu.dma_semaphore, #tpu.memory_space<semaphore_mem>>)
    %scan3A_430 = arith.constant 0 : i32
    %scan3A_431 = arith.constant 0 : i32
    %scan3A_432 = arith.constant 32 : i32
    %scan3A_433 = arith.addi %scan3A_431, %scan3A_432 : i32
    %scan3A_434 = arith.constant 1 : i32
    scf.for %scan3A_469 = %scan3A_431 to %scan3A_433 step %scan3A_434  : i32 {
      %mul3A_470 = arith.constant 2 : i32
      %mul3A_471 = arith.muli %mul3A_470, %scan3A_469 : i32
      %add3A_472 = arith.constant 1 : i32
      %add3A_473 = arith.addi %mul3A_471, %add3A_472 : i32
      %dma_start3A_474 = arith.constant 0 : i32
      %dma_start3A_475 = tpu.memref_slice %arg9[%add3A_473, %dma_start3A_474] : memref<64x80xi32, #tpu.memory_space<vmem>> -> memref<1x80xi32, #tpu.memory_space<vmem>>
      %dma_start3A_476 = tpu.memref_squeeze %dma_start3A_475 : memref<1x80xi32, #tpu.memory_space<vmem>> -> memref<80xi32, #tpu.memory_space<vmem>>
      %dma_start3A_477 = arith.constant 0 : i32
      %dma_start3A_478 = arith.constant 0 : i32
      %dma_start3A_479 = tpu.memref_slice %arg4[%dma_start3A_477, %dma_start3A_478] : memref<10240x128xf32, #tpu.memory_space<hbm>> -> memref<10240x128xf32, #tpu.memory_space<hbm>>
      tpu.enqueue_indirect_dma source(%dma_start3A_479 : memref<10240x128xf32, #tpu.memory_space<hbm>>) target(%arg12 : memref<80x128xf32, #tpu.memory_space<vmem>>) offsets(%dma_start3A_476 : memref<80xi32, #tpu.memory_space<vmem>>) semaphore(%arg23 : memref<!tpu.dma_semaphore, #tpu.memory_space<semaphore_mem>>)
      %dma_start3A_480 = arith.constant 0 : i32
      %dma_start3A_481 = tpu.memref_slice %arg10[%add3A_473, %dma_start3A_480] : memref<64x80xi32, #tpu.memory_space<vmem>> -> memref<1x80xi32, #tpu.memory_space<vmem>>
      %dma_start3A_482 = tpu.memref_squeeze %dma_start3A_481 : memref<1x80xi32, #tpu.memory_space<vmem>> -> memref<80xi32, #tpu.memory_space<vmem>>
      %dma_start3A_483 = arith.constant 0 : i32
      %dma_start3A_484 = tpu.memref_slice %arg5[%dma_start3A_483] : memref<10240xf32, #tpu.memory_space<hbm>> -> memref<10240xf32, #tpu.memory_space<hbm>>
      tpu.enqueue_indirect_dma source(%dma_start3A_484 : memref<10240xf32, #tpu.memory_space<hbm>>) target(%arg14 : memref<80xf32, #tpu.memory_space<vmem>>) offsets(%dma_start3A_482 : memref<80xi32, #tpu.memory_space<vmem>>) semaphore(%arg25 : memref<!tpu.dma_semaphore, #tpu.memory_space<semaphore_mem>>)
      %dma_start3A_485 = arith.constant 0 : i32
      %dma_start3A_486 = tpu.memref_slice %arg10[%add3A_473, %dma_start3A_485] : memref<64x80xi32, #tpu.memory_space<vmem>> -> memref<1x80xi32, #tpu.memory_space<vmem>>
      %dma_start3A_487 = tpu.memref_squeeze %dma_start3A_486 : memref<1x80xi32, #tpu.memory_space<vmem>> -> memref<80xi32, #tpu.memory_space<vmem>>
      %dma_start3A_488 = arith.constant 0 : i32
      %dma_start3A_489 = tpu.memref_slice %arg6[%dma_start3A_488] : memref<10240xi32, #tpu.memory_space<hbm>> -> memref<10240xi32, #tpu.memory_space<hbm>>
      tpu.enqueue_indirect_dma source(%dma_start3A_489 : memref<10240xi32, #tpu.memory_space<hbm>>) target(%arg16 : memref<80xi32, #tpu.memory_space<vmem>>) offsets(%dma_start3A_487 : memref<80xi32, #tpu.memory_space<vmem>>) semaphore(%arg25 : memref<!tpu.dma_semaphore, #tpu.memory_space<semaphore_mem>>)
      %dma_wait3A_490 = arith.constant 0 : i32
      %dma_wait3A_491 = tpu.memref_slice %arg9[%mul3A_471, %dma_wait3A_490] : memref<64x80xi32, #tpu.memory_space<vmem>> -> memref<1x80xi32, #tpu.memory_space<vmem>>
      %dma_wait3A_492 = tpu.memref_squeeze %dma_wait3A_491 : memref<1x80xi32, #tpu.memory_space<vmem>> -> memref<80xi32, #tpu.memory_space<vmem>>
      %dma_wait3A_493 = arith.constant 0 : i32
      %dma_wait3A_494 = arith.constant 0 : i32
      %dma_wait3A_495 = tpu.memref_slice %arg4[%dma_wait3A_493, %dma_wait3A_494] : memref<10240x128xf32, #tpu.memory_space<hbm>> -> memref<10240x128xf32, #tpu.memory_space<hbm>>
      tpu.wait_indirect_dma semaphore(%arg22 : memref<!tpu.dma_semaphore, #tpu.memory_space<semaphore_mem>>) src(%dma_wait3A_495 : memref<10240x128xf32, #tpu.memory_space<hbm>>) dst(%arg11 : memref<80x128xf32, #tpu.memory_space<vmem>>)
      "tpu.region"() ({
        %run_scoped3A = tpu.sem_alloc : memref<!tpu.dma_semaphore, #tpu.memory_space<semaphore_mem>>
        %dma_start3A_632 = arith.constant 0 : i32
        %dma_start3A_633 = tpu.memref_slice %arg10[%mul3A_471, %dma_start3A_632] : memref<64x80xi32, #tpu.memory_space<vmem>> -> memref<1x80xi32, #tpu.memory_space<vmem>>
        %dma_start3A_634 = tpu.memref_squeeze %dma_start3A_633 : memref<1x80xi32, #tpu.memory_space<vmem>> -> memref<80xi32, #tpu.memory_space<vmem>>
        %dma_start3A_635 = arith.constant 0 : i32
        %dma_start3A_636 = arith.constant 0 : i32
        %dma_start3A_637 = tpu.memref_slice %arg20[%dma_start3A_635, %dma_start3A_636] : memref<10240x128xf32, #tpu.memory_space<vmem_shared>> -> memref<10240x128xf32, #tpu.memory_space<vmem_shared>>
        tpu.enqueue_indirect_dma source(%arg11 : memref<80x128xf32, #tpu.memory_space<vmem>>) target(%dma_start3A_637 : memref<10240x128xf32, #tpu.memory_space<vmem_shared>>) offsets(%dma_start3A_634 : memref<80xi32, #tpu.memory_space<vmem>>) semaphore(%run_scoped3A : memref<!tpu.dma_semaphore, #tpu.memory_space<semaphore_mem>>) {add = true}
        %dma_wait3A_638 = arith.constant 0 : i32
        %dma_wait3A_639 = tpu.memref_slice %arg10[%mul3A_471, %dma_wait3A_638] : memref<64x80xi32, #tpu.memory_space<vmem>> -> memref<1x80xi32, #tpu.memory_space<vmem>>
        %dma_wait3A_640 = tpu.memref_squeeze %dma_wait3A_639 : memref<1x80xi32, #tpu.memory_space<vmem>> -> memref<80xi32, #tpu.memory_space<vmem>>
        %dma_wait3A_641 = arith.constant 0 : i32
        %dma_wait3A_642 = arith.constant 0 : i32
        %dma_wait3A_643 = tpu.memref_slice %arg20[%dma_wait3A_641, %dma_wait3A_642] : memref<10240x128xf32, #tpu.memory_space<vmem_shared>> -> memref<10240x128xf32, #tpu.memory_space<vmem_shared>>
        tpu.wait_indirect_dma semaphore(%run_scoped3A : memref<!tpu.dma_semaphore, #tpu.memory_space<semaphore_mem>>) src(%arg11 : memref<80x128xf32, #tpu.memory_space<vmem>>) dst(%dma_wait3A_643 : memref<10240x128xf32, #tpu.memory_space<vmem_shared>>)
        tpu.yield
      }) : () -> ()
      %dma_wait3A_496 = arith.constant 0 : i32
      %dma_wait3A_497 = tpu.memref_slice %arg10[%mul3A_471, %dma_wait3A_496] : memref<64x80xi32, #tpu.memory_space<vmem>> -> memref<1x80xi32, #tpu.memory_space<vmem>>
      %dma_wait3A_498 = tpu.memref_squeeze %dma_wait3A_497 : memref<1x80xi32, #tpu.memory_space<vmem>> -> memref<80xi32, #tpu.memory_space<vmem>>
      %dma_wait3A_499 = arith.constant 0 : i32
      %dma_wait3A_500 = tpu.memref_slice %arg5[%dma_wait3A_499] : memref<10240xf32, #tpu.memory_space<hbm>> -> memref<10240xf32, #tpu.memory_space<hbm>>
      tpu.wait_indirect_dma semaphore(%arg24 : memref<!tpu.dma_semaphore, #tpu.memory_space<semaphore_mem>>) src(%dma_wait3A_500 : memref<10240xf32, #tpu.memory_space<hbm>>) dst(%arg13 : memref<80xf32, #tpu.memory_space<vmem>>)
      %dma_wait3A_501 = arith.constant 0 : i32
      %dma_wait3A_502 = tpu.memref_slice %arg10[%mul3A_471, %dma_wait3A_501] : memref<64x80xi32, #tpu.memory_space<vmem>> -> memref<1x80xi32, #tpu.memory_space<vmem>>
      %dma_wait3A_503 = tpu.memref_squeeze %dma_wait3A_502 : memref<1x80xi32, #tpu.memory_space<vmem>> -> memref<80xi32, #tpu.memory_space<vmem>>
      %dma_wait3A_504 = arith.constant 0 : i32
      %dma_wait3A_505 = tpu.memref_slice %arg6[%dma_wait3A_504] : memref<10240xi32, #tpu.memory_space<hbm>> -> memref<10240xi32, #tpu.memory_space<hbm>>
      tpu.wait_indirect_dma semaphore(%arg24 : memref<!tpu.dma_semaphore, #tpu.memory_space<semaphore_mem>>) src(%dma_wait3A_505 : memref<10240xi32, #tpu.memory_space<hbm>>) dst(%arg15 : memref<80xi32, #tpu.memory_space<vmem>>)
      %get3A = arith.index_cast %mul3A_471 : i32 to index
      %get3A_506 = arith.constant 0 : index
      %get3A_507 = tpu.vector_load %arg9[%get3A, %get3A_506] {strides = array<i32>} : memref<64x80xi32, #tpu.memory_space<vmem>>, vector<16xi32>,
      %get3A_508 = arith.constant 0 : index
      %get3A_509 = tpu.vector_load %arg15[%get3A_508] {strides = array<i32>} : memref<80xi32, #tpu.memory_space<vmem>>, vector<16xi32>,
      %mul3A_510 = arith.constant 16 : i32
      %mul3A_511 = vector.broadcast %mul3A_510 : i32 to vector<16xi32>
      %mul3A_512 = arith.muli %get3A_507, %mul3A_511 : vector<16xi32>
      %add3A_513 = arith.addi %mul3A_512, %get3A_509 : vector<16xi32>
      %swap3A = arith.constant 0 : index
      %swap3A_514 = tpu.vector_load %arg17[%swap3A] {strides = array<i32>} : memref<80xi32, #tpu.memory_space<vmem>>, vector<16xi32>,
      tpu.vector_store %arg17[%swap3A], %add3A_513 {strides = array<i32>} : memref<80xi32, #tpu.memory_space<vmem>>, vector<16xi32>,
      %get3A_515 = arith.index_cast %mul3A_471 : i32 to index
      %get3A_516 = arith.constant 16 : index
      %get3A_517 = tpu.vector_load %arg9[%get3A_515, %get3A_516] {strides = array<i32>} : memref<64x80xi32, #tpu.memory_space<vmem>>, vector<16xi32>,
      %get3A_518 = arith.constant 16 : index
      %get3A_519 = tpu.vector_load %arg15[%get3A_518] {strides = array<i32>} : memref<80xi32, #tpu.memory_space<vmem>>, vector<16xi32>,
      %mul3A_520 = arith.constant 16 : i32
      %mul3A_521 = vector.broadcast %mul3A_520 : i32 to vector<16xi32>
      %mul3A_522 = arith.muli %get3A_517, %mul3A_521 : vector<16xi32>
      %add3A_523 = arith.addi %mul3A_522, %get3A_519 : vector<16xi32>
      %swap3A_524 = arith.constant 16 : index
      %swap3A_525 = tpu.vector_load %arg17[%swap3A_524] {strides = array<i32>} : memref<80xi32, #tpu.memory_space<vmem>>, vector<16xi32>,
      tpu.vector_store %arg17[%swap3A_524], %add3A_523 {strides = array<i32>} : memref<80xi32, #tpu.memory_space<vmem>>, vector<16xi32>,
      %get3A_526 = arith.index_cast %mul3A_471 : i32 to index
      %get3A_527 = arith.constant 32 : index
      %get3A_528 = tpu.vector_load %arg9[%get3A_526, %get3A_527] {strides = array<i32>} : memref<64x80xi32, #tpu.memory_space<vmem>>, vector<16xi32>,
      %get3A_529 = arith.constant 32 : index
      %get3A_530 = tpu.vector_load %arg15[%get3A_529] {strides = array<i32>} : memref<80xi32, #tpu.memory_space<vmem>>, vector<16xi32>,
      %mul3A_531 = arith.constant 16 : i32
      %mul3A_532 = vector.broadcast %mul3A_531 : i32 to vector<16xi32>
      %mul3A_533 = arith.muli %get3A_528, %mul3A_532 : vector<16xi32>
      %add3A_534 = arith.addi %mul3A_533, %get3A_530 : vector<16xi32>
      %swap3A_535 = arith.constant 32 : index
      %swap3A_536 = tpu.vector_load %arg17[%swap3A_535] {strides = array<i32>} : memref<80xi32, #tpu.memory_space<vmem>>, vector<16xi32>,
      tpu.vector_store %arg17[%swap3A_535], %add3A_534 {strides = array<i32>} : memref<80xi32, #tpu.memory_space<vmem>>, vector<16xi32>,
      %get3A_537 = arith.index_cast %mul3A_471 : i32 to index
      %get3A_538 = arith.constant 48 : index
      %get3A_539 = tpu.vector_load %arg9[%get3A_537, %get3A_538] {strides = array<i32>} : memref<64x80xi32, #tpu.memory_space<vmem>>, vector<16xi32>,
      %get3A_540 = arith.constant 48 : index
      %get3A_541 = tpu.vector_load %arg15[%get3A_540] {strides = array<i32>} : memref<80xi32, #tpu.memory_space<vmem>>, vector<16xi32>,
      %mul3A_542 = arith.constant 16 : i32
      %mul3A_543 = vector.broadcast %mul3A_542 : i32 to vector<16xi32>
      %mul3A_544 = arith.muli %get3A_539, %mul3A_543 : vector<16xi32>
      %add3A_545 = arith.addi %mul3A_544, %get3A_541 : vector<16xi32>
      %swap3A_546 = arith.constant 48 : index
      %swap3A_547 = tpu.vector_load %arg17[%swap3A_546] {strides = array<i32>} : memref<80xi32, #tpu.memory_space<vmem>>, vector<16xi32>,
      tpu.vector_store %arg17[%swap3A_546], %add3A_545 {strides = array<i32>} : memref<80xi32, #tpu.memory_space<vmem>>, vector<16xi32>,
      %get3A_548 = arith.index_cast %mul3A_471 : i32 to index
      %get3A_549 = arith.constant 64 : index
      %get3A_550 = tpu.vector_load %arg9[%get3A_548, %get3A_549] {strides = array<i32>} : memref<64x80xi32, #tpu.memory_space<vmem>>, vector<16xi32>,
      %get3A_551 = arith.constant 64 : index
      %get3A_552 = tpu.vector_load %arg15[%get3A_551] {strides = array<i32>} : memref<80xi32, #tpu.memory_space<vmem>>, vector<16xi32>,
      %mul3A_553 = arith.constant 16 : i32
      %mul3A_554 = vector.broadcast %mul3A_553 : i32 to vector<16xi32>
      %mul3A_555 = arith.muli %get3A_550, %mul3A_554 : vector<16xi32>
      %add3A_556 = arith.addi %mul3A_555, %get3A_552 : vector<16xi32>
      %swap3A_557 = arith.constant 64 : index
      %swap3A_558 = tpu.vector_load %arg17[%swap3A_557] {strides = array<i32>} : memref<80xi32, #tpu.memory_space<vmem>>, vector<16xi32>,
      tpu.vector_store %arg17[%swap3A_557], %add3A_556 {strides = array<i32>} : memref<80xi32, #tpu.memory_space<vmem>>, vector<16xi32>,
      "tpu.region"() ({
        %run_scoped3A = tpu.sem_alloc : memref<!tpu.dma_semaphore, #tpu.memory_space<semaphore_mem>>
        %dma_start3A_632 = arith.constant 0 : i32
        %dma_start3A_633 = tpu.memref_slice %arg21[%dma_start3A_632] : memref<163840xf32, #tpu.memory_space<vmem_shared>> -> memref<163840xf32, #tpu.memory_space<vmem_shared>>
        tpu.enqueue_indirect_dma source(%arg13 : memref<80xf32, #tpu.memory_space<vmem>>) target(%dma_start3A_633 : memref<163840xf32, #tpu.memory_space<vmem_shared>>) offsets(%arg17 : memref<80xi32, #tpu.memory_space<vmem>>) semaphore(%run_scoped3A : memref<!tpu.dma_semaphore, #tpu.memory_space<semaphore_mem>>) {add = true}
        %dma_wait3A_634 = arith.constant 0 : i32
        %dma_wait3A_635 = tpu.memref_slice %arg21[%dma_wait3A_634] : memref<163840xf32, #tpu.memory_space<vmem_shared>> -> memref<163840xf32, #tpu.memory_space<vmem_shared>>
        tpu.wait_indirect_dma semaphore(%run_scoped3A : memref<!tpu.dma_semaphore, #tpu.memory_space<semaphore_mem>>) src(%arg13 : memref<80xf32, #tpu.memory_space<vmem>>) dst(%dma_wait3A_635 : memref<163840xf32, #tpu.memory_space<vmem_shared>>)
        tpu.yield
      }) : () -> ()
      %lt3A = arith.constant 31 : i32
      %lt3A_559 = arith.cmpi slt, %scan3A_469, %lt3A : i32
      %convert_element_type3A = arith.extui %lt3A_559 : i1 to i32
      %cond3A = arith.constant 0 : i32
      %cond3A_560 = arith.cmpi ne, %convert_element_type3A, %cond3A : i32
      scf.if %cond3A_560 {
        %add3A_632 = arith.constant 2 : i32
        %add3A_633 = arith.addi %mul3A_471, %add3A_632 : i32
        %dma_start3A_634 = arith.constant 0 : i32
        %dma_start3A_635 = tpu.memref_slice %arg9[%add3A_633, %dma_start3A_634] : memref<64x80xi32, #tpu.memory_space<vmem>> -> memref<1x80xi32, #tpu.memory_space<vmem>>
        %dma_start3A_636 = tpu.memref_squeeze %dma_start3A_635 : memref<1x80xi32, #tpu.memory_space<vmem>> -> memref<80xi32, #tpu.memory_space<vmem>>
        %dma_start3A_637 = arith.constant 0 : i32
        %dma_start3A_638 = arith.constant 0 : i32
        %dma_start3A_639 = tpu.memref_slice %arg4[%dma_start3A_637, %dma_start3A_638] : memref<10240x128xf32, #tpu.memory_space<hbm>> -> memref<10240x128xf32, #tpu.memory_space<hbm>>
        tpu.enqueue_indirect_dma source(%dma_start3A_639 : memref<10240x128xf32, #tpu.memory_space<hbm>>) target(%arg11 : memref<80x128xf32, #tpu.memory_space<vmem>>) offsets(%dma_start3A_636 : memref<80xi32, #tpu.memory_space<vmem>>) semaphore(%arg22 : memref<!tpu.dma_semaphore, #tpu.memory_space<semaphore_mem>>)
        %dma_start3A_640 = arith.constant 0 : i32
        %dma_start3A_641 = tpu.memref_slice %arg10[%add3A_633, %dma_start3A_640] : memref<64x80xi32, #tpu.memory_space<vmem>> -> memref<1x80xi32, #tpu.memory_space<vmem>>
        %dma_start3A_642 = tpu.memref_squeeze %dma_start3A_641 : memref<1x80xi32, #tpu.memory_space<vmem>> -> memref<80xi32, #tpu.memory_space<vmem>>
        %dma_start3A_643 = arith.constant 0 : i32
        %dma_start3A_644 = tpu.memref_slice %arg5[%dma_start3A_643] : memref<10240xf32, #tpu.memory_space<hbm>> -> memref<10240xf32, #tpu.memory_space<hbm>>
        tpu.enqueue_indirect_dma source(%dma_start3A_644 : memref<10240xf32, #tpu.memory_space<hbm>>) target(%arg13 : memref<80xf32, #tpu.memory_space<vmem>>) offsets(%dma_start3A_642 : memref<80xi32, #tpu.memory_space<vmem>>) semaphore(%arg24 : memref<!tpu.dma_semaphore, #tpu.memory_space<semaphore_mem>>)
        %dma_start3A_645 = arith.constant 0 : i32
        %dma_start3A_646 = tpu.memref_slice %arg10[%add3A_633, %dma_start3A_645] : memref<64x80xi32, #tpu.memory_space<vmem>> -> memref<1x80xi32, #tpu.memory_space<vmem>>
        %dma_start3A_647 = tpu.memref_squeeze %dma_start3A_646 : memref<1x80xi32, #tpu.memory_space<vmem>> -> memref<80xi32, #tpu.memory_space<vmem>>
        %dma_start3A_648 = arith.constant 0 : i32
        %dma_start3A_649 = tpu.memref_slice %arg6[%dma_start3A_648] : memref<10240xi32, #tpu.memory_space<hbm>> -> memref<10240xi32, #tpu.memory_space<hbm>>
        tpu.enqueue_indirect_dma source(%dma_start3A_649 : memref<10240xi32, #tpu.memory_space<hbm>>) target(%arg15 : memref<80xi32, #tpu.memory_space<vmem>>) offsets(%dma_start3A_647 : memref<80xi32, #tpu.memory_space<vmem>>) semaphore(%arg24 : memref<!tpu.dma_semaphore, #tpu.memory_space<semaphore_mem>>)
      } else {
      }
      %dma_wait3A_561 = arith.constant 0 : i32
      %dma_wait3A_562 = tpu.memref_slice %arg9[%add3A_473, %dma_wait3A_561] : memref<64x80xi32, #tpu.memory_space<vmem>> -> memref<1x80xi32, #tpu.memory_space<vmem>>
      %dma_wait3A_563 = tpu.memref_squeeze %dma_wait3A_562 : memref<1x80xi32, #tpu.memory_space<vmem>> -> memref<80xi32, #tpu.memory_space<vmem>>
      %dma_wait3A_564 = arith.constant 0 : i32
      %dma_wait3A_565 = arith.constant 0 : i32
      %dma_wait3A_566 = tpu.memref_slice %arg4[%dma_wait3A_564, %dma_wait3A_565] : memref<10240x128xf32, #tpu.memory_space<hbm>> -> memref<10240x128xf32, #tpu.memory_space<hbm>>
      tpu.wait_indirect_dma semaphore(%arg23 : memref<!tpu.dma_semaphore, #tpu.memory_space<semaphore_mem>>) src(%dma_wait3A_566 : memref<10240x128xf32, #tpu.memory_space<hbm>>) dst(%arg12 : memref<80x128xf32, #tpu.memory_space<vmem>>)
      "tpu.region"() ({
        %run_scoped3A = tpu.sem_alloc : memref<!tpu.dma_semaphore, #tpu.memory_space<semaphore_mem>>
        %dma_start3A_632 = arith.constant 0 : i32
        %dma_start3A_633 = tpu.memref_slice %arg10[%add3A_473, %dma_start3A_632] : memref<64x80xi32, #tpu.memory_space<vmem>> -> memref<1x80xi32, #tpu.memory_space<vmem>>
        %dma_start3A_634 = tpu.memref_squeeze %dma_start3A_633 : memref<1x80xi32, #tpu.memory_space<vmem>> -> memref<80xi32, #tpu.memory_space<vmem>>
        %dma_start3A_635 = arith.constant 0 : i32
        %dma_start3A_636 = arith.constant 0 : i32
        %dma_start3A_637 = tpu.memref_slice %arg20[%dma_start3A_635, %dma_start3A_636] : memref<10240x128xf32, #tpu.memory_space<vmem_shared>> -> memref<10240x128xf32, #tpu.memory_space<vmem_shared>>
        tpu.enqueue_indirect_dma source(%arg12 : memref<80x128xf32, #tpu.memory_space<vmem>>) target(%dma_start3A_637 : memref<10240x128xf32, #tpu.memory_space<vmem_shared>>) offsets(%dma_start3A_634 : memref<80xi32, #tpu.memory_space<vmem>>) semaphore(%run_scoped3A : memref<!tpu.dma_semaphore, #tpu.memory_space<semaphore_mem>>) {add = true}
        %dma_wait3A_638 = arith.constant 0 : i32
        %dma_wait3A_639 = tpu.memref_slice %arg10[%add3A_473, %dma_wait3A_638] : memref<64x80xi32, #tpu.memory_space<vmem>> -> memref<1x80xi32, #tpu.memory_space<vmem>>
        %dma_wait3A_640 = tpu.memref_squeeze %dma_wait3A_639 : memref<1x80xi32, #tpu.memory_space<vmem>> -> memref<80xi32, #tpu.memory_space<vmem>>
        %dma_wait3A_641 = arith.constant 0 : i32
        %dma_wait3A_642 = arith.constant 0 : i32
        %dma_wait3A_643 = tpu.memref_slice %arg20[%dma_wait3A_641, %dma_wait3A_642] : memref<10240x128xf32, #tpu.memory_space<vmem_shared>> -> memref<10240x128xf32, #tpu.memory_space<vmem_shared>>
        tpu.wait_indirect_dma semaphore(%run_scoped3A : memref<!tpu.dma_semaphore, #tpu.memory_space<semaphore_mem>>) src(%arg12 : memref<80x128xf32, #tpu.memory_space<vmem>>) dst(%dma_wait3A_643 : memref<10240x128xf32, #tpu.memory_space<vmem_shared>>)
        tpu.yield
      }) : () -> ()
      %dma_wait3A_567 = arith.constant 0 : i32
      %dma_wait3A_568 = tpu.memref_slice %arg10[%add3A_473, %dma_wait3A_567] : memref<64x80xi32, #tpu.memory_space<vmem>> -> memref<1x80xi32, #tpu.memory_space<vmem>>
      %dma_wait3A_569 = tpu.memref_squeeze %dma_wait3A_568 : memref<1x80xi32, #tpu.memory_space<vmem>> -> memref<80xi32, #tpu.memory_space<vmem>>
      %dma_wait3A_570 = arith.constant 0 : i32
      %dma_wait3A_571 = tpu.memref_slice %arg5[%dma_wait3A_570] : memref<10240xf32, #tpu.memory_space<hbm>> -> memref<10240xf32, #tpu.memory_space<hbm>>
      tpu.wait_indirect_dma semaphore(%arg25 : memref<!tpu.dma_semaphore, #tpu.memory_space<semaphore_mem>>) src(%dma_wait3A_571 : memref<10240xf32, #tpu.memory_space<hbm>>) dst(%arg14 : memref<80xf32, #tpu.memory_space<vmem>>)
      %dma_wait3A_572 = arith.constant 0 : i32
      %dma_wait3A_573 = tpu.memref_slice %arg10[%add3A_473, %dma_wait3A_572] : memref<64x80xi32, #tpu.memory_space<vmem>> -> memref<1x80xi32, #tpu.memory_space<vmem>>
      %dma_wait3A_574 = tpu.memref_squeeze %dma_wait3A_573 : memref<1x80xi32, #tpu.memory_space<vmem>> -> memref<80xi32, #tpu.memory_space<vmem>>
      %dma_wait3A_575 = arith.constant 0 : i32
      %dma_wait3A_576 = tpu.memref_slice %arg6[%dma_wait3A_575] : memref<10240xi32, #tpu.memory_space<hbm>> -> memref<10240xi32, #tpu.memory_space<hbm>>
      tpu.wait_indirect_dma semaphore(%arg25 : memref<!tpu.dma_semaphore, #tpu.memory_space<semaphore_mem>>) src(%dma_wait3A_576 : memref<10240xi32, #tpu.memory_space<hbm>>) dst(%arg16 : memref<80xi32, #tpu.memory_space<vmem>>)
      %get3A_577 = arith.index_cast %add3A_473 : i32 to index
      %get3A_578 = arith.constant 0 : index
      %get3A_579 = tpu.vector_load %arg9[%get3A_577, %get3A_578] {strides = array<i32>} : memref<64x80xi32, #tpu.memory_space<vmem>>, vector<16xi32>,
      %get3A_580 = arith.constant 0 : index
      %get3A_581 = tpu.vector_load %arg16[%get3A_580] {strides = array<i32>} : memref<80xi32, #tpu.memory_space<vmem>>, vector<16xi32>,
      %mul3A_582 = arith.constant 16 : i32
      %mul3A_583 = vector.broadcast %mul3A_582 : i32 to vector<16xi32>
      %mul3A_584 = arith.muli %get3A_579, %mul3A_583 : vector<16xi32>
      %add3A_585 = arith.addi %mul3A_584, %get3A_581 : vector<16xi32>
      %swap3A_586 = arith.constant 0 : index
      %swap3A_587 = tpu.vector_load %arg18[%swap3A_586] {strides = array<i32>} : memref<80xi32, #tpu.memory_space<vmem>>, vector<16xi32>,
      tpu.vector_store %arg18[%swap3A_586], %add3A_585 {strides = array<i32>} : memref<80xi32, #tpu.memory_space<vmem>>, vector<16xi32>,
      %get3A_588 = arith.index_cast %add3A_473 : i32 to index
      %get3A_589 = arith.constant 16 : index
      %get3A_590 = tpu.vector_load %arg9[%get3A_588, %get3A_589] {strides = array<i32>} : memref<64x80xi32, #tpu.memory_space<vmem>>, vector<16xi32>,
      %get3A_591 = arith.constant 16 : index
      %get3A_592 = tpu.vector_load %arg16[%get3A_591] {strides = array<i32>} : memref<80xi32, #tpu.memory_space<vmem>>, vector<16xi32>,
      %mul3A_593 = arith.constant 16 : i32
      %mul3A_594 = vector.broadcast %mul3A_593 : i32 to vector<16xi32>
      %mul3A_595 = arith.muli %get3A_590, %mul3A_594 : vector<16xi32>
      %add3A_596 = arith.addi %mul3A_595, %get3A_592 : vector<16xi32>
      %swap3A_597 = arith.constant 16 : index
      %swap3A_598 = tpu.vector_load %arg18[%swap3A_597] {strides = array<i32>} : memref<80xi32, #tpu.memory_space<vmem>>, vector<16xi32>,
      tpu.vector_store %arg18[%swap3A_597], %add3A_596 {strides = array<i32>} : memref<80xi32, #tpu.memory_space<vmem>>, vector<16xi32>,
      %get3A_599 = arith.index_cast %add3A_473 : i32 to index
      %get3A_600 = arith.constant 32 : index
      %get3A_601 = tpu.vector_load %arg9[%get3A_599, %get3A_600] {strides = array<i32>} : memref<64x80xi32, #tpu.memory_space<vmem>>, vector<16xi32>,
      %get3A_602 = arith.constant 32 : index
      %get3A_603 = tpu.vector_load %arg16[%get3A_602] {strides = array<i32>} : memref<80xi32, #tpu.memory_space<vmem>>, vector<16xi32>,
      %mul3A_604 = arith.constant 16 : i32
      %mul3A_605 = vector.broadcast %mul3A_604 : i32 to vector<16xi32>
      %mul3A_606 = arith.muli %get3A_601, %mul3A_605 : vector<16xi32>
      %add3A_607 = arith.addi %mul3A_606, %get3A_603 : vector<16xi32>
      %swap3A_608 = arith.constant 32 : index
      %swap3A_609 = tpu.vector_load %arg18[%swap3A_608] {strides = array<i32>} : memref<80xi32, #tpu.memory_space<vmem>>, vector<16xi32>,
      tpu.vector_store %arg18[%swap3A_608], %add3A_607 {strides = array<i32>} : memref<80xi32, #tpu.memory_space<vmem>>, vector<16xi32>,
      %get3A_610 = arith.index_cast %add3A_473 : i32 to index
      %get3A_611 = arith.constant 48 : index
      %get3A_612 = tpu.vector_load %arg9[%get3A_610, %get3A_611] {strides = array<i32>} : memref<64x80xi32, #tpu.memory_space<vmem>>, vector<16xi32>,
      %get3A_613 = arith.constant 48 : index
      %get3A_614 = tpu.vector_load %arg16[%get3A_613] {strides = array<i32>} : memref<80xi32, #tpu.memory_space<vmem>>, vector<16xi32>,
      %mul3A_615 = arith.constant 16 : i32
      %mul3A_616 = vector.broadcast %mul3A_615 : i32 to vector<16xi32>
      %mul3A_617 = arith.muli %get3A_612, %mul3A_616 : vector<16xi32>
      %add3A_618 = arith.addi %mul3A_617, %get3A_614 : vector<16xi32>
      %swap3A_619 = arith.constant 48 : index
      %swap3A_620 = tpu.vector_load %arg18[%swap3A_619] {strides = array<i32>} : memref<80xi32, #tpu.memory_space<vmem>>, vector<16xi32>,
      tpu.vector_store %arg18[%swap3A_619], %add3A_618 {strides = array<i32>} : memref<80xi32, #tpu.memory_space<vmem>>, vector<16xi32>,
      %get3A_621 = arith.index_cast %add3A_473 : i32 to index
      %get3A_622 = arith.constant 64 : index
      %get3A_623 = tpu.vector_load %arg9[%get3A_621, %get3A_622] {strides = array<i32>} : memref<64x80xi32, #tpu.memory_space<vmem>>, vector<16xi32>,
      %get3A_624 = arith.constant 64 : index
      %get3A_625 = tpu.vector_load %arg16[%get3A_624] {strides = array<i32>} : memref<80xi32, #tpu.memory_space<vmem>>, vector<16xi32>,
      %mul3A_626 = arith.constant 16 : i32
      %mul3A_627 = vector.broadcast %mul3A_626 : i32 to vector<16xi32>
      %mul3A_628 = arith.muli %get3A_623, %mul3A_627 : vector<16xi32>
      %add3A_629 = arith.addi %mul3A_628, %get3A_625 : vector<16xi32>
      %swap3A_630 = arith.constant 64 : index
      %swap3A_631 = tpu.vector_load %arg18[%swap3A_630] {strides = array<i32>} : memref<80xi32, #tpu.memory_space<vmem>>, vector<16xi32>,
      tpu.vector_store %arg18[%swap3A_630], %add3A_629 {strides = array<i32>} : memref<80xi32, #tpu.memory_space<vmem>>, vector<16xi32>,
      "tpu.region"() ({
        %run_scoped3A = tpu.sem_alloc : memref<!tpu.dma_semaphore, #tpu.memory_space<semaphore_mem>>
        %dma_start3A_632 = arith.constant 0 : i32
        %dma_start3A_633 = tpu.memref_slice %arg21[%dma_start3A_632] : memref<163840xf32, #tpu.memory_space<vmem_shared>> -> memref<163840xf32, #tpu.memory_space<vmem_shared>>
        tpu.enqueue_indirect_dma source(%arg14 : memref<80xf32, #tpu.memory_space<vmem>>) target(%dma_start3A_633 : memref<163840xf32, #tpu.memory_space<vmem_shared>>) offsets(%arg18 : memref<80xi32, #tpu.memory_space<vmem>>) semaphore(%run_scoped3A : memref<!tpu.dma_semaphore, #tpu.memory_space<semaphore_mem>>) {add = true}
        %dma_wait3A_634 = arith.constant 0 : i32
        %dma_wait3A_635 = tpu.memref_slice %arg21[%dma_wait3A_634] : memref<163840xf32, #tpu.memory_space<vmem_shared>> -> memref<163840xf32, #tpu.memory_space<vmem_shared>>
        tpu.wait_indirect_dma semaphore(%run_scoped3A : memref<!tpu.dma_semaphore, #tpu.memory_space<semaphore_mem>>) src(%arg14 : memref<80xf32, #tpu.memory_space<vmem>>) dst(%dma_wait3A_635 : memref<163840xf32, #tpu.memory_space<vmem_shared>>)
        tpu.yield
      }) : () -> ()
    }
    %scan3A_435 = arith.constant 32 : i32
    %barrier3A_436 = arith.constant 0 : index
    tpu.barrier barrier_id(%barrier3A_436)
    %mul3A_437 = arith.constant 640 : i32
    %mul3A_438 = arith.muli %arg1, %mul3A_437 : i32
    %mul3A_439 = arith.constant 640 : i32
    %mul3A_440 = arith.muli %arg1, %mul3A_439 : i32
    %dma_start3A_441 = arith.constant 0 : i32
    %dma_start3A_442 = tpu.memref_slice %arg7[%arg0, %mul3A_440, %dma_start3A_441] : memref<2x10240x128xf32, #tpu.memory_space<hbm>> -> memref<1x640x128xf32, #tpu.memory_space<hbm>>
    %dma_start3A_443 = tpu.memref_squeeze %dma_start3A_442 : memref<1x640x128xf32, #tpu.memory_space<hbm>> -> memref<640x128xf32, #tpu.memory_space<hbm>>
    %dma_start3A_444 = arith.constant 0 : i32
    %dma_start3A_445 = tpu.memref_slice %arg20[%mul3A_438, %dma_start3A_444] : memref<10240x128xf32, #tpu.memory_space<vmem_shared>> -> memref<640x128xf32, #tpu.memory_space<vmem_shared>>
    tpu.enqueue_dma source(%dma_start3A_445 : memref<640x128xf32, #tpu.memory_space<vmem_shared>>) target(%dma_start3A_443 : memref<640x128xf32, #tpu.memory_space<hbm>>) target_semaphore(%arg22 : memref<!tpu.dma_semaphore, #tpu.memory_space<semaphore_mem>>)
    %mul3A_446 = arith.constant 10240 : i32
    %mul3A_447 = arith.muli %arg1, %mul3A_446 : i32
    %mul3A_448 = arith.constant 10240 : i32
    %mul3A_449 = arith.muli %arg1, %mul3A_448 : i32
    %dma_start3A_450 = tpu.memref_slice %arg8[%arg0, %mul3A_449] : memref<2x163840xf32, #tpu.memory_space<hbm>> -> memref<1x10240xf32, #tpu.memory_space<hbm>>
    %dma_start3A_451 = tpu.memref_squeeze %dma_start3A_450 : memref<1x10240xf32, #tpu.memory_space<hbm>> -> memref<10240xf32, #tpu.memory_space<hbm>>
    %dma_start3A_452 = tpu.memref_slice %arg21[%mul3A_447] : memref<163840xf32, #tpu.memory_space<vmem_shared>> -> memref<10240xf32, #tpu.memory_space<vmem_shared>>
    tpu.enqueue_dma source(%dma_start3A_452 : memref<10240xf32, #tpu.memory_space<vmem_shared>>) target(%dma_start3A_451 : memref<10240xf32, #tpu.memory_space<hbm>>) target_semaphore(%arg23 : memref<!tpu.dma_semaphore, #tpu.memory_space<semaphore_mem>>)
    %mul3A_453 = arith.constant 640 : i32
    %mul3A_454 = arith.muli %arg1, %mul3A_453 : i32
    %mul3A_455 = arith.constant 640 : i32
    %mul3A_456 = arith.muli %arg1, %mul3A_455 : i32
    %dma_wait3A_457 = arith.constant 0 : i32
    %dma_wait3A_458 = tpu.memref_slice %arg7[%arg0, %mul3A_456, %dma_wait3A_457] : memref<2x10240x128xf32, #tpu.memory_space<hbm>> -> memref<1x640x128xf32, #tpu.memory_space<hbm>>
    %dma_wait3A_459 = tpu.memref_squeeze %dma_wait3A_458 : memref<1x640x128xf32, #tpu.memory_space<hbm>> -> memref<640x128xf32, #tpu.memory_space<hbm>>
    %dma_wait3A_460 = arith.constant 0 : i32
    %dma_wait3A_461 = tpu.memref_slice %arg20[%mul3A_454, %dma_wait3A_460] : memref<10240x128xf32, #tpu.memory_space<vmem_shared>> -> memref<640x128xf32, #tpu.memory_space<vmem_shared>>
    tpu.wait_dma2 semaphore(%arg22 : memref<!tpu.dma_semaphore, #tpu.memory_space<semaphore_mem>>) src(%dma_wait3A_461 : memref<640x128xf32, #tpu.memory_space<vmem_shared>>) dst(%dma_wait3A_459 : memref<640x128xf32, #tpu.memory_space<hbm>>)
    %mul3A_462 = arith.constant 10240 : i32
    %mul3A_463 = arith.muli %arg1, %mul3A_462 : i32
    %mul3A_464 = arith.constant 10240 : i32
    %mul3A_465 = arith.muli %arg1, %mul3A_464 : i32
    %dma_wait3A_466 = tpu.memref_slice %arg8[%arg0, %mul3A_465] : memref<2x163840xf32, #tpu.memory_space<hbm>> -> memref<1x10240xf32, #tpu.memory_space<hbm>>
    %dma_wait3A_467 = tpu.memref_squeeze %dma_wait3A_466 : memref<1x10240xf32, #tpu.memory_space<hbm>> -> memref<10240xf32, #tpu.memory_space<hbm>>
    %dma_wait3A_468 = tpu.memref_slice %arg21[%mul3A_463] : memref<163840xf32, #tpu.memory_space<vmem_shared>> -> memref<10240xf32, #tpu.memory_space<vmem_shared>>
    tpu.wait_dma2 semaphore(%arg23 : memref<!tpu.dma_semaphore, #tpu.memory_space<semaphore_mem>>) src(%dma_wait3A_468 : memref<10240xf32, #tpu.memory_space<vmem_shared>>) dst(%dma_wait3A_467 : memref<10240xf32, #tpu.memory_space<hbm>>)
    return
  }
}

#map = affine_map<(d0, d1) -> (0, 0, 0)>
#map1 = affine_map<(d0, d1) -> (0)>
#map2 = affine_map<(d0, d1) -> (0, 0)>
module attributes {stable_mosaic.version = 14 : i64} {
  func.func @_sc_degree(%arg0: i32, %arg1: i32, %arg2: memref<32x64x80xi32, #tpu.memory_space<hbm>>, %arg3: memref<80xf32, #tpu.memory_space<hbm>>, %arg4: memref<640xf32, #tpu.memory_space<hbm>>, %arg5: memref<2x10240xf32, #tpu.memory_space<hbm>>, %arg6: memref<64x80xi32, #tpu.memory_space<vmem>>, %arg7: memref<80xf32, #tpu.memory_space<vmem>>, %arg8: memref<10240xf32, #tpu.memory_space<vmem_shared>>) attributes {dimension_semantics = [#tpu.dimension_semantics<core_parallel>, #tpu.dimension_semantics<subcore_parallel>], iteration_bounds = array<i64: 2, 16>, scalar_prefetch = 0 : i64, scratch_operands = 3 : i64, tpu.core_type = #tpu.core_type<sc_vector_subcore>, window_params = [{transform_indices = #map}, {transform_indices = #map1}, {transform_indices = #map1}, {transform_indices = #map2}]} {
    %mul3A = arith.constant 2 : i32
    %mul3A_0 = arith.muli %arg1, %mul3A : i32
    %add3A = arith.addi %mul3A_0, %arg0 : i32
    %mul3A_1 = arith.constant 640 : i32
    %mul3A_2 = arith.muli %arg1, %mul3A_1 : i32
    "tpu.region"() ({
      %run_scoped3A = tpu.sem_alloc : memref<!tpu.dma_semaphore, #tpu.memory_space<semaphore_mem>>
      %dma_start3A = tpu.memref_slice %arg8[%mul3A_2] : memref<10240xf32, #tpu.memory_space<vmem_shared>> -> memref<640xf32, #tpu.memory_space<vmem_shared>>
      %dma_start3A_13 = arith.constant 0 : i32
      %dma_start3A_14 = tpu.memref_slice %arg4[%dma_start3A_13] : memref<640xf32, #tpu.memory_space<hbm>> -> memref<640xf32, #tpu.memory_space<hbm>>
      tpu.enqueue_dma source(%dma_start3A_14 : memref<640xf32, #tpu.memory_space<hbm>>) target(%dma_start3A : memref<640xf32, #tpu.memory_space<vmem_shared>>) target_semaphore(%run_scoped3A : memref<!tpu.dma_semaphore, #tpu.memory_space<semaphore_mem>>)
      %dma_wait3A = tpu.memref_slice %arg8[%mul3A_2] : memref<10240xf32, #tpu.memory_space<vmem_shared>> -> memref<640xf32, #tpu.memory_space<vmem_shared>>
      %dma_wait3A_15 = arith.constant 0 : i32
      %dma_wait3A_16 = tpu.memref_slice %arg4[%dma_wait3A_15] : memref<640xf32, #tpu.memory_space<hbm>> -> memref<640xf32, #tpu.memory_space<hbm>>
      tpu.wait_dma2 semaphore(%run_scoped3A : memref<!tpu.dma_semaphore, #tpu.memory_space<semaphore_mem>>) src(%dma_wait3A_16 : memref<640xf32, #tpu.memory_space<hbm>>) dst(%dma_wait3A : memref<640xf32, #tpu.memory_space<vmem_shared>>)
      tpu.yield
    }) : () -> ()
    "tpu.region"() ({
      %run_scoped3A = tpu.sem_alloc : memref<!tpu.dma_semaphore, #tpu.memory_space<semaphore_mem>>
      tpu.enqueue_dma source(%arg3 : memref<80xf32, #tpu.memory_space<hbm>>) target(%arg7 : memref<80xf32, #tpu.memory_space<vmem>>) target_semaphore(%run_scoped3A : memref<!tpu.dma_semaphore, #tpu.memory_space<semaphore_mem>>)
      tpu.wait_dma2 semaphore(%run_scoped3A : memref<!tpu.dma_semaphore, #tpu.memory_space<semaphore_mem>>) src(%arg3 : memref<80xf32, #tpu.memory_space<hbm>>) dst(%arg7 : memref<80xf32, #tpu.memory_space<vmem>>)
      tpu.yield
    }) : () -> ()
    "tpu.region"() ({
      %run_scoped3A = tpu.sem_alloc : memref<!tpu.dma_semaphore, #tpu.memory_space<semaphore_mem>>
      %dma_start3A = arith.constant 0 : i32
      %dma_start3A_13 = arith.constant 0 : i32
      %dma_start3A_14 = tpu.memref_slice %arg2[%add3A, %dma_start3A, %dma_start3A_13] : memref<32x64x80xi32, #tpu.memory_space<hbm>> -> memref<1x64x80xi32, #tpu.memory_space<hbm>>
      %dma_start3A_15 = tpu.memref_squeeze %dma_start3A_14 : memref<1x64x80xi32, #tpu.memory_space<hbm>> -> memref<64x80xi32, #tpu.memory_space<hbm>>
      %dma_start3A_16 = arith.constant 0 : i32
      %dma_start3A_17 = arith.constant 0 : i32
      %dma_start3A_18 = tpu.memref_slice %arg2[%add3A, %dma_start3A_16, %dma_start3A_17] : memref<32x64x80xi32, #tpu.memory_space<hbm>> -> memref<1x64x80xi32, #tpu.memory_space<hbm>>
      %dma_start3A_19 = tpu.memref_squeeze %dma_start3A_18 : memref<1x64x80xi32, #tpu.memory_space<hbm>> -> memref<64x80xi32, #tpu.memory_space<hbm>>
      tpu.enqueue_dma source(%dma_start3A_19 : memref<64x80xi32, #tpu.memory_space<hbm>>) target(%arg6 : memref<64x80xi32, #tpu.memory_space<vmem>>) target_semaphore(%run_scoped3A : memref<!tpu.dma_semaphore, #tpu.memory_space<semaphore_mem>>)
      %dma_wait3A = arith.constant 0 : i32
      %dma_wait3A_20 = arith.constant 0 : i32
      %dma_wait3A_21 = tpu.memref_slice %arg2[%add3A, %dma_wait3A, %dma_wait3A_20] : memref<32x64x80xi32, #tpu.memory_space<hbm>> -> memref<1x64x80xi32, #tpu.memory_space<hbm>>
      %dma_wait3A_22 = tpu.memref_squeeze %dma_wait3A_21 : memref<1x64x80xi32, #tpu.memory_space<hbm>> -> memref<64x80xi32, #tpu.memory_space<hbm>>
      %dma_wait3A_23 = arith.constant 0 : i32
      %dma_wait3A_24 = arith.constant 0 : i32
      %dma_wait3A_25 = tpu.memref_slice %arg2[%add3A, %dma_wait3A_23, %dma_wait3A_24] : memref<32x64x80xi32, #tpu.memory_space<hbm>> -> memref<1x64x80xi32, #tpu.memory_space<hbm>>
      %dma_wait3A_26 = tpu.memref_squeeze %dma_wait3A_25 : memref<1x64x80xi32, #tpu.memory_space<hbm>> -> memref<64x80xi32, #tpu.memory_space<hbm>>
      tpu.wait_dma2 semaphore(%run_scoped3A : memref<!tpu.dma_semaphore, #tpu.memory_space<semaphore_mem>>) src(%dma_wait3A_26 : memref<64x80xi32, #tpu.memory_space<hbm>>) dst(%arg6 : memref<64x80xi32, #tpu.memory_space<vmem>>)
      tpu.yield
    }) : () -> ()
    %barrier3A = arith.constant 0 : index
    tpu.barrier barrier_id(%barrier3A)
    %scan3A = arith.constant 0 : i32
    %scan3A_3 = arith.constant 0 : i32
    %scan3A_4 = arith.constant 64 : i32
    %scan3A_5 = arith.addi %scan3A_3, %scan3A_4 : i32
    %scan3A_6 = arith.constant 1 : i32
    scf.for %scan3A_13 = %scan3A_3 to %scan3A_5 step %scan3A_6  : i32 {
      "tpu.region"() ({
        %run_scoped3A = tpu.sem_alloc : memref<!tpu.dma_semaphore, #tpu.memory_space<semaphore_mem>>
        %dma_start3A = arith.constant 0 : i32
        %dma_start3A_14 = tpu.memref_slice %arg6[%scan3A_13, %dma_start3A] : memref<64x80xi32, #tpu.memory_space<vmem>> -> memref<1x80xi32, #tpu.memory_space<vmem>>
        %dma_start3A_15 = tpu.memref_squeeze %dma_start3A_14 : memref<1x80xi32, #tpu.memory_space<vmem>> -> memref<80xi32, #tpu.memory_space<vmem>>
        %dma_start3A_16 = arith.constant 0 : i32
        %dma_start3A_17 = tpu.memref_slice %arg8[%dma_start3A_16] : memref<10240xf32, #tpu.memory_space<vmem_shared>> -> memref<10240xf32, #tpu.memory_space<vmem_shared>>
        tpu.enqueue_indirect_dma source(%arg7 : memref<80xf32, #tpu.memory_space<vmem>>) target(%dma_start3A_17 : memref<10240xf32, #tpu.memory_space<vmem_shared>>) offsets(%dma_start3A_15 : memref<80xi32, #tpu.memory_space<vmem>>) semaphore(%run_scoped3A : memref<!tpu.dma_semaphore, #tpu.memory_space<semaphore_mem>>) {add = true}
        %dma_wait3A = arith.constant 0 : i32
        %dma_wait3A_18 = tpu.memref_slice %arg6[%scan3A_13, %dma_wait3A] : memref<64x80xi32, #tpu.memory_space<vmem>> -> memref<1x80xi32, #tpu.memory_space<vmem>>
        %dma_wait3A_19 = tpu.memref_squeeze %dma_wait3A_18 : memref<1x80xi32, #tpu.memory_space<vmem>> -> memref<80xi32, #tpu.memory_space<vmem>>
        %dma_wait3A_20 = arith.constant 0 : i32
        %dma_wait3A_21 = tpu.memref_slice %arg8[%dma_wait3A_20] : memref<10240xf32, #tpu.memory_space<vmem_shared>> -> memref<10240xf32, #tpu.memory_space<vmem_shared>>
        tpu.wait_indirect_dma semaphore(%run_scoped3A : memref<!tpu.dma_semaphore, #tpu.memory_space<semaphore_mem>>) src(%arg7 : memref<80xf32, #tpu.memory_space<vmem>>) dst(%dma_wait3A_21 : memref<10240xf32, #tpu.memory_space<vmem_shared>>)
        tpu.yield
      }) : () -> ()
    }
    %scan3A_7 = arith.constant 64 : i32
    %barrier3A_8 = arith.constant 0 : index
    tpu.barrier barrier_id(%barrier3A_8)
    %mul3A_9 = arith.constant 640 : i32
    %mul3A_10 = arith.muli %arg1, %mul3A_9 : i32
    %mul3A_11 = arith.constant 640 : i32
    %mul3A_12 = arith.muli %arg1, %mul3A_11 : i32
    "tpu.region"() ({
      %run_scoped3A = tpu.sem_alloc : memref<!tpu.dma_semaphore, #tpu.memory_space<semaphore_mem>>
      %dma_start3A = tpu.memref_slice %arg5[%arg0, %mul3A_12] : memref<2x10240xf32, #tpu.memory_space<hbm>> -> memref<1x640xf32, #tpu.memory_space<hbm>>
      %dma_start3A_13 = tpu.memref_squeeze %dma_start3A : memref<1x640xf32, #tpu.memory_space<hbm>> -> memref<640xf32, #tpu.memory_space<hbm>>
      %dma_start3A_14 = tpu.memref_slice %arg8[%mul3A_10] : memref<10240xf32, #tpu.memory_space<vmem_shared>> -> memref<640xf32, #tpu.memory_space<vmem_shared>>
      tpu.enqueue_dma source(%dma_start3A_14 : memref<640xf32, #tpu.memory_space<vmem_shared>>) target(%dma_start3A_13 : memref<640xf32, #tpu.memory_space<hbm>>) target_semaphore(%run_scoped3A : memref<!tpu.dma_semaphore, #tpu.memory_space<semaphore_mem>>)
      %dma_wait3A = tpu.memref_slice %arg5[%arg0, %mul3A_12] : memref<2x10240xf32, #tpu.memory_space<hbm>> -> memref<1x640xf32, #tpu.memory_space<hbm>>
      %dma_wait3A_15 = tpu.memref_squeeze %dma_wait3A : memref<1x640xf32, #tpu.memory_space<hbm>> -> memref<640xf32, #tpu.memory_space<hbm>>
      %dma_wait3A_16 = tpu.memref_slice %arg8[%mul3A_10] : memref<10240xf32, #tpu.memory_space<vmem_shared>> -> memref<640xf32, #tpu.memory_space<vmem_shared>>
      tpu.wait_dma2 semaphore(%run_scoped3A : memref<!tpu.dma_semaphore, #tpu.memory_space<semaphore_mem>>) src(%dma_wait3A_16 : memref<640xf32, #tpu.memory_space<vmem_shared>>) dst(%dma_wait3A_15 : memref<640xf32, #tpu.memory_space<hbm>>)
      tpu.yield
    }) : () -> ()
    return
  }
}

module attributes {stable_mosaic.version = 14 : i64} {
  func.func @_mm_body(%arg0: i32, %arg1: memref<1280x256xf32, #tpu.memory_space<vmem>>, %arg2: memref<256x128xf32, #tpu.memory_space<vmem>>, %arg3: memref<1280x1xf32, #tpu.memory_space<vmem>>, %arg4: memref<1280x1xf32, #tpu.memory_space<vmem>>, %arg5: memref<1280x128xf32, #tpu.memory_space<vmem>>, %arg6: memref<1280x1xf32, #tpu.memory_space<vmem>>) attributes {dimension_semantics = [#tpu.dimension_semantics<arbitrary>], iteration_bounds = array<i64: 8>, scalar_prefetch = 0 : i64, scratch_operands = 0 : i64, tpu.core_type = #tpu.core_type<tc>, window_params = [{transform_indices = @transform_0, window_bounds = array<i64: 1280, 256>}, {pipeline_mode = #tpu.pipeline_mode<synchronous>, transform_indices = @transform_1, window_bounds = array<i64: 256, 128>}, {transform_indices = @transform_2, window_bounds = array<i64: 1280, 1>}, {transform_indices = @transform_3, window_bounds = array<i64: 1280, 1>}, {transform_indices = @transform_4, window_bounds = array<i64: 1280, 128>}, {transform_indices = @transform_5, window_bounds = array<i64: 1280, 1>}]} {
    %get3A = arith.constant 0 : index
    %get3A_0 = arith.constant 0 : index
    %get3A_1 = vector.load %arg1[%get3A, %get3A_0] : memref<1280x256xf32, #tpu.memory_space<vmem>>, vector<1280x256xf32>
    %get3A_2 = arith.constant 0 : index
    %get3A_3 = arith.constant 0 : index
    %get3A_4 = vector.load %arg2[%get3A_2, %get3A_3] : memref<256x128xf32, #tpu.memory_space<vmem>>, vector<256x128xf32>
    %dot_general3A = arith.constant dense<0.000000e+00> : vector<1280x128xf32>
    %dot_general3A_5 = tpu.matmul %get3A_1, %get3A_4, %dot_general3A {dimension_numbers = #tpu.dot_dimension_numbers<[1], [0], [0], [1], [0, 0, 1, 1], [], []>, precision = #tpu.contract_precision<fp32>, transpose_lhs_hint = false} : vector<1280x256xf32>, vector<256x128xf32>, vector<1280x128xf32> -> vector<1280x128xf32>
    %get3A_6 = arith.constant 0 : index
    %get3A_7 = arith.constant 0 : index
    %get3A_8 = vector.load %arg3[%get3A_6, %get3A_7] : memref<1280x1xf32, #tpu.memory_space<vmem>>, vector<1280x1xf32>
    %get3A_9 = arith.constant 0 : index
    %get3A_10 = arith.constant 0 : index
    %get3A_11 = vector.load %arg4[%get3A_9, %get3A_10] : memref<1280x1xf32, #tpu.memory_space<vmem>>, vector<1280x1xf32>
    %add3A = arith.addf %get3A_8, %get3A_11 : vector<1280x1xf32>
    %add3A_12 = arith.constant 1.000000e+00 : f32
    %add3A_13 = vector.broadcast %add3A_12 : f32 to vector<1280x1xf32>
    %add3A_14 = arith.addf %add3A, %add3A_13 : vector<1280x1xf32>
    %mul3A = arith.constant 1280 : i32
    %mul3A_15 = arith.muli %arg0, %mul3A : i32
    %iota3A = tpu.iota {dimensions = array<i32: 0>} : vector<1280x1xi32>
    %add3A_16 = vector.broadcast %mul3A_15 : i32 to vector<1280x1xi32>
    %add3A_17 = arith.addi %add3A_16, %iota3A : vector<1280x1xi32>
    %lt3A = arith.constant 10000 : i32
    %lt3A_18 = vector.broadcast %lt3A : i32 to vector<1280x1xi32>
    %lt3A_19 = arith.cmpi slt, %add3A_17, %lt3A_18 : vector<1280x1xi32>
    %rsqrt3A = math.rsqrt %add3A_14 : vector<1280x1xf32>
    %jit3A = arith.constant 0.000000e+00 : f32
    %broadcast_in_dim3A = vector.broadcast %jit3A : f32 to vector<1280x1xf32>
    %select_n3A = arith.select %lt3A_19, %rsqrt3A, %broadcast_in_dim3A : vector<1280x1xi1>, vector<1280x1xf32>
    %mul3A_20 = vector.broadcast %select_n3A : vector<1280x1xf32> to vector<1280x128xf32>
    %mul3A_21 = arith.mulf %dot_general3A_5, %mul3A_20 : vector<1280x128xf32>
    %swap3A = arith.constant 0 : index
    %swap3A_22 = arith.constant 0 : index
    %swap3A_23 = vector.load %arg5[%swap3A, %swap3A_22] : memref<1280x128xf32, #tpu.memory_space<vmem>>, vector<1280x128xf32>
    tpu.vector_store %arg5[%swap3A, %swap3A_22], %mul3A_21 {strides = array<i32>} : memref<1280x128xf32, #tpu.memory_space<vmem>>, vector<1280x128xf32>,
    %swap3A_24 = arith.constant 0 : index
    %swap3A_25 = arith.constant 0 : index
    %swap3A_26 = vector.load %arg6[%swap3A_24, %swap3A_25] : memref<1280x1xf32, #tpu.memory_space<vmem>>, vector<1280x1xf32>
    tpu.vector_store %arg6[%swap3A_24, %swap3A_25], %select_n3A {strides = array<i32>} : memref<1280x1xf32, #tpu.memory_space<vmem>>, vector<1280x1xf32>,
    return
  }
  func.func @transform_0(%arg0: i32) -> (i32, i32) {
    %c0_i32 = arith.constant 0 : i32
    %c0_i32_0 = arith.constant 0 : i32
    return %arg0, %c0_i32 : i32, i32
  }
  func.func @transform_1(%arg0: i32) -> (i32, i32) {
    %c0_i32 = arith.constant 0 : i32
    %c0_i32_0 = arith.constant 0 : i32
    %c0_i32_1 = arith.constant 0 : i32
    return %c0_i32, %c0_i32_0 : i32, i32
  }
  func.func @transform_2(%arg0: i32) -> (i32, i32) {
    %c0_i32 = arith.constant 0 : i32
    %c0_i32_0 = arith.constant 0 : i32
    return %arg0, %c0_i32 : i32, i32
  }
  func.func @transform_3(%arg0: i32) -> (i32, i32) {
    %c0_i32 = arith.constant 0 : i32
    %c0_i32_0 = arith.constant 0 : i32
    return %arg0, %c0_i32 : i32, i32
  }
  func.func @transform_4(%arg0: i32) -> (i32, i32) {
    %c0_i32 = arith.constant 0 : i32
    %c0_i32_0 = arith.constant 0 : i32
    return %arg0, %c0_i32 : i32, i32
  }
  func.func @transform_5(%arg0: i32) -> (i32, i32) {
    %c0_i32 = arith.constant 0 : i32
    %c0_i32_0 = arith.constant 0 : i32
    return %arg0, %c0_i32 : i32, i32
  }
}

module attributes {stable_mosaic.version = 14 : i64} {
  func.func @_fin_body(%arg0: i32, %arg1: memref<1280x128xf32, #tpu.memory_space<vmem>>, %arg2: memref<1280x128xf32, #tpu.memory_space<vmem>>, %arg3: memref<1280x128xf32, #tpu.memory_space<vmem>>, %arg4: memref<1280x1xf32, #tpu.memory_space<vmem>>, %arg5: memref<1280x16xf32, #tpu.memory_space<vmem>>, %arg6: memref<1280x16xf32, #tpu.memory_space<vmem>>, %arg7: memref<1280x1xi32, #tpu.memory_space<vmem>>, %arg8: memref<1x128xf32, #tpu.memory_space<vmem>>, %arg9: memref<128x64xf32, #tpu.memory_space<vmem>>, %arg10: memref<1x64xf32, #tpu.memory_space<vmem>>, %arg11: memref<16x64xf32, #tpu.memory_space<vmem>>, %arg12: memref<16x128xf32, #tpu.memory_space<vmem>>, %arg13: memref<16x128xf32, #tpu.memory_space<vmem>>) attributes {dimension_semantics = [#tpu.dimension_semantics<arbitrary>], iteration_bounds = array<i64: 8>, scalar_prefetch = 0 : i64, scratch_operands = 2 : i64, tpu.core_type = #tpu.core_type<tc>, window_params = [{transform_indices = @transform_0, window_bounds = array<i64: 1280, 128>}, {transform_indices = @transform_1, window_bounds = array<i64: 1280, 128>}, {transform_indices = @transform_2, window_bounds = array<i64: 1280, 128>}, {transform_indices = @transform_3, window_bounds = array<i64: 1280, 1>}, {transform_indices = @transform_4, window_bounds = array<i64: 1280, 16>}, {transform_indices = @transform_5, window_bounds = array<i64: 1280, 16>}, {transform_indices = @transform_6, window_bounds = array<i64: 1280, 1>}, {pipeline_mode = #tpu.pipeline_mode<synchronous>, transform_indices = @transform_7, window_bounds = array<i64: 1, 128>}, {pipeline_mode = #tpu.pipeline_mode<synchronous>, transform_indices = @transform_8, window_bounds = array<i64: 128, 64>}, {pipeline_mode = #tpu.pipeline_mode<synchronous>, transform_indices = @transform_9, window_bounds = array<i64: 1, 64>}, {pipeline_mode = #tpu.pipeline_mode<synchronous>, transform_indices = @transform_10, window_bounds = array<i64: 16, 64>}]} {
    %eq3A = arith.constant 0 : i32
    %eq3A_0 = arith.cmpi eq, %arg0, %eq3A : i32
    %convert_element_type3A = arith.extui %eq3A_0 : i1 to i32
    %cond3A = arith.constant 0 : i32
    %cond3A_1 = arith.cmpi ne, %convert_element_type3A, %cond3A : i32
    scf.if %cond3A_1 {
      %broadcast_in_dim3A_63 = arith.constant 0.000000e+00 : f32
      %broadcast_in_dim3A_64 = vector.broadcast %broadcast_in_dim3A_63 : f32 to vector<16x128xf32>
      %swap3A_65 = arith.constant 0 : index
      %swap3A_66 = arith.constant 0 : index
      %swap3A_67 = vector.load %arg12[%swap3A_65, %swap3A_66] : memref<16x128xf32, #tpu.memory_space<vmem>>, vector<16x128xf32>
      tpu.vector_store %arg12[%swap3A_65, %swap3A_66], %broadcast_in_dim3A_64 {strides = array<i32>} : memref<16x128xf32, #tpu.memory_space<vmem>>, vector<16x128xf32>,
      %broadcast_in_dim3A_68 = arith.constant 0.000000e+00 : f32
      %broadcast_in_dim3A_69 = vector.broadcast %broadcast_in_dim3A_68 : f32 to vector<16x128xf32>
      %swap3A_70 = arith.constant 0 : index
      %swap3A_71 = arith.constant 0 : index
      %swap3A_72 = vector.load %arg13[%swap3A_70, %swap3A_71] : memref<16x128xf32, #tpu.memory_space<vmem>>, vector<16x128xf32>
      tpu.vector_store %arg13[%swap3A_70, %swap3A_71], %broadcast_in_dim3A_69 {strides = array<i32>} : memref<16x128xf32, #tpu.memory_space<vmem>>, vector<16x128xf32>,
    } else {
    }
    %get3A = arith.constant 0 : index
    %get3A_2 = arith.constant 0 : index
    %get3A_3 = vector.load %arg4[%get3A, %get3A_2] : memref<1280x1xf32, #tpu.memory_space<vmem>>, vector<1280x1xf32>
    %get3A_4 = arith.constant 0 : index
    %get3A_5 = arith.constant 0 : index
    %get3A_6 = vector.load %arg1[%get3A_4, %get3A_5] : memref<1280x128xf32, #tpu.memory_space<vmem>>, vector<1280x128xf32>
    %get3A_7 = arith.constant 0 : index
    %get3A_8 = arith.constant 0 : index
    %get3A_9 = vector.load %arg2[%get3A_7, %get3A_8] : memref<1280x128xf32, #tpu.memory_space<vmem>>, vector<1280x128xf32>
    %add3A = arith.addf %get3A_6, %get3A_9 : vector<1280x128xf32>
    %get3A_10 = arith.constant 0 : index
    %get3A_11 = arith.constant 0 : index
    %get3A_12 = vector.load %arg3[%get3A_10, %get3A_11] : memref<1280x128xf32, #tpu.memory_space<vmem>>, vector<1280x128xf32>
    %add3A_13 = arith.addf %add3A, %get3A_12 : vector<1280x128xf32>
    %mul3A = vector.broadcast %get3A_3 : vector<1280x1xf32> to vector<1280x128xf32>
    %mul3A_14 = arith.mulf %mul3A, %add3A_13 : vector<1280x128xf32>
    %get3A_15 = arith.constant 0 : index
    %get3A_16 = arith.constant 0 : index
    %get3A_17 = vector.load %arg8[%get3A_15, %get3A_16] : memref<1x128xf32, #tpu.memory_space<vmem>>, vector<1x128xf32>
    %add3A_18 = vector.broadcast %get3A_17 : vector<1x128xf32> to vector<1280x128xf32>
    %add3A_19 = arith.addf %mul3A_14, %add3A_18 : vector<1280x128xf32>
    %max3A = arith.constant 0.000000e+00 : f32
    %max3A_20 = vector.broadcast %max3A : f32 to vector<1280x128xf32>
    %max3A_21 = arith.maximumf %add3A_19, %max3A_20 : vector<1280x128xf32>
    %iota3A = tpu.iota {dimensions = array<i32: 1>} : vector<1280x16xi32>
    %get3A_22 = arith.constant 0 : index
    %get3A_23 = arith.constant 0 : index
    %get3A_24 = vector.load %arg7[%get3A_22, %get3A_23] : memref<1280x1xi32, #tpu.memory_space<vmem>>, vector<1280x1xi32>
    %eq3A_25 = vector.broadcast %get3A_24 : vector<1280x1xi32> to vector<1280x16xi32>
    %eq3A_26 = arith.cmpi eq, %eq3A_25, %iota3A : vector<1280x16xi32>
    %convert_element_type3A_27 = arith.extui %eq3A_26 : vector<1280x16xi1> to vector<1280x16xi32>
    %convert_element_type3A_28 = arith.sitofp %convert_element_type3A_27 : vector<1280x16xi32> to vector<1280x16xf32>
    %get3A_29 = arith.constant 0 : index
    %get3A_30 = arith.constant 0 : index
    %get3A_31 = vector.load %arg5[%get3A_29, %get3A_30] : memref<1280x16xf32, #tpu.memory_space<vmem>>, vector<1280x16xf32>
    %get3A_32 = arith.constant 0 : index
    %get3A_33 = arith.constant 0 : index
    %get3A_34 = vector.load %arg6[%get3A_32, %get3A_33] : memref<1280x16xf32, #tpu.memory_space<vmem>>, vector<1280x16xf32>
    %add3A_35 = arith.addf %get3A_31, %get3A_34 : vector<1280x16xf32>
    %mul3A_36 = vector.broadcast %get3A_3 : vector<1280x1xf32> to vector<1280x16xf32>
    %mul3A_37 = arith.mulf %convert_element_type3A_28, %mul3A_36 : vector<1280x16xf32>
    %add3A_38 = arith.addf %add3A_35, %mul3A_37 : vector<1280x16xf32>
    %mul3A_39 = vector.broadcast %get3A_3 : vector<1280x1xf32> to vector<1280x16xf32>
    %mul3A_40 = arith.mulf %add3A_38, %mul3A_39 : vector<1280x16xf32>
    %get3A_41 = arith.constant 0 : index
    %get3A_42 = arith.constant 0 : index
    %get3A_43 = vector.load %arg12[%get3A_41, %get3A_42] : memref<16x128xf32, #tpu.memory_space<vmem>>, vector<16x128xf32>
    %dot_general3A = arith.constant dense<0.000000e+00> : vector<16x128xf32>
    %dot_general3A_44 = tpu.matmul %mul3A_40, %max3A_21, %dot_general3A {dimension_numbers = #tpu.dot_dimension_numbers<[0], [0], [1], [1], [0, 1, 1, 1], [], []>, precision = #tpu.contract_precision<fp32>, transpose_lhs_hint = false} : vector<1280x16xf32>, vector<1280x128xf32>, vector<16x128xf32> -> vector<16x128xf32>
    %add3A_45 = arith.addf %get3A_43, %dot_general3A_44 : vector<16x128xf32>
    %swap3A = arith.constant 0 : index
    %swap3A_46 = arith.constant 0 : index
    %swap3A_47 = vector.load %arg12[%swap3A, %swap3A_46] : memref<16x128xf32, #tpu.memory_space<vmem>>, vector<16x128xf32>
    tpu.vector_store %arg12[%swap3A, %swap3A_46], %add3A_45 {strides = array<i32>} : memref<16x128xf32, #tpu.memory_space<vmem>>, vector<16x128xf32>,
    %get3A_48 = arith.constant 0 : index
    %get3A_49 = arith.constant 0 : index
    %get3A_50 = vector.load %arg13[%get3A_48, %get3A_49] : memref<16x128xf32, #tpu.memory_space<vmem>>, vector<16x128xf32>
    %broadcast_in_dim3A = arith.constant 1.000000e+00 : f32
    %broadcast_in_dim3A_51 = vector.broadcast %broadcast_in_dim3A : f32 to vector<1280x128xf32>
    %dot_general3A_52 = arith.constant dense<0.000000e+00> : vector<16x128xf32>
    %dot_general3A_53 = tpu.matmul %convert_element_type3A_28, %broadcast_in_dim3A_51, %dot_general3A_52 {dimension_numbers = #tpu.dot_dimension_numbers<[0], [0], [1], [1], [0, 1, 1, 1], [], []>, precision = #tpu.contract_precision<fp32>, transpose_lhs_hint = false} : vector<1280x16xf32>, vector<1280x128xf32>, vector<16x128xf32> -> vector<16x128xf32>
    %add3A_54 = arith.addf %get3A_50, %dot_general3A_53 : vector<16x128xf32>
    %swap3A_55 = arith.constant 0 : index
    %swap3A_56 = arith.constant 0 : index
    %swap3A_57 = vector.load %arg13[%swap3A_55, %swap3A_56] : memref<16x128xf32, #tpu.memory_space<vmem>>, vector<16x128xf32>
    tpu.vector_store %arg13[%swap3A_55, %swap3A_56], %add3A_54 {strides = array<i32>} : memref<16x128xf32, #tpu.memory_space<vmem>>, vector<16x128xf32>,
    %eq3A_58 = arith.constant 7 : i32
    %eq3A_59 = arith.cmpi eq, %arg0, %eq3A_58 : i32
    %convert_element_type3A_60 = arith.extui %eq3A_59 : i1 to i32
    %cond3A_61 = arith.constant 0 : i32
    %cond3A_62 = arith.cmpi ne, %convert_element_type3A_60, %cond3A_61 : i32
    scf.if %cond3A_62 {
      %get3A_63 = arith.constant 0 : index
      %get3A_64 = arith.constant 0 : index
      %get3A_65 = vector.load %arg13[%get3A_63, %get3A_64] : memref<16x128xf32, #tpu.memory_space<vmem>>, vector<16x128xf32>
      %max3A_66 = arith.constant 1.000000e+00 : f32
      %max3A_67 = vector.broadcast %max3A_66 : f32 to vector<16x128xf32>
      %max3A_68 = arith.maximumf %get3A_65, %max3A_67 : vector<16x128xf32>
      %get3A_69 = arith.constant 0 : index
      %get3A_70 = arith.constant 0 : index
      %get3A_71 = vector.load %arg12[%get3A_69, %get3A_70] : memref<16x128xf32, #tpu.memory_space<vmem>>, vector<16x128xf32>
      %div3A = arith.divf %get3A_71, %max3A_68 : vector<16x128xf32>
      %get3A_72 = arith.constant 0 : index
      %get3A_73 = arith.constant 0 : index
      %get3A_74 = vector.load %arg9[%get3A_72, %get3A_73] : memref<128x64xf32, #tpu.memory_space<vmem>>, vector<128x64xf32>
      %dot_general3A_75 = arith.constant dense<0.000000e+00> : vector<16x64xf32>
      %dot_general3A_76 = tpu.matmul %div3A, %get3A_74, %dot_general3A_75 {dimension_numbers = #tpu.dot_dimension_numbers<[1], [0], [0], [1], [0, 0, 1, 1], [], []>, precision = #tpu.contract_precision<fp32>, transpose_lhs_hint = false} : vector<16x128xf32>, vector<128x64xf32>, vector<16x64xf32> -> vector<16x64xf32>
      %get3A_77 = arith.constant 0 : index
      %get3A_78 = arith.constant 0 : index
      %get3A_79 = vector.load %arg10[%get3A_77, %get3A_78] : memref<1x64xf32, #tpu.memory_space<vmem>>, vector<1x64xf32>
      %add3A_80 = vector.broadcast %get3A_79 : vector<1x64xf32> to vector<16x64xf32>
      %add3A_81 = arith.addf %dot_general3A_76, %add3A_80 : vector<16x64xf32>
      %swap3A_82 = arith.constant 0 : index
      %swap3A_83 = arith.constant 0 : index
      %swap3A_84 = vector.load %arg11[%swap3A_82, %swap3A_83] : memref<16x64xf32, #tpu.memory_space<vmem>>, vector<16x64xf32>
      tpu.vector_store %arg11[%swap3A_82, %swap3A_83], %add3A_81 {strides = array<i32>} : memref<16x64xf32, #tpu.memory_space<vmem>>, vector<16x64xf32>,
    } else {
    }
    return
  }
  func.func @transform_0(%arg0: i32) -> (i32, i32) {
    %c0_i32 = arith.constant 0 : i32
    %c0_i32_0 = arith.constant 0 : i32
    return %arg0, %c0_i32 : i32, i32
  }
  func.func @transform_1(%arg0: i32) -> (i32, i32) {
    %c0_i32 = arith.constant 0 : i32
    %c0_i32_0 = arith.constant 0 : i32
    return %arg0, %c0_i32 : i32, i32
  }
  func.func @transform_2(%arg0: i32) -> (i32, i32) {
    %c0_i32 = arith.constant 0 : i32
    %c0_i32_0 = arith.constant 0 : i32
    return %arg0, %c0_i32 : i32, i32
  }
  func.func @transform_3(%arg0: i32) -> (i32, i32) {
    %c0_i32 = arith.constant 0 : i32
    %c0_i32_0 = arith.constant 0 : i32
    return %arg0, %c0_i32 : i32, i32
  }
  func.func @transform_4(%arg0: i32) -> (i32, i32) {
    %c0_i32 = arith.constant 0 : i32
    %c0_i32_0 = arith.constant 0 : i32
    return %arg0, %c0_i32 : i32, i32
  }
  func.func @transform_5(%arg0: i32) -> (i32, i32) {
    %c0_i32 = arith.constant 0 : i32
    %c0_i32_0 = arith.constant 0 : i32
    return %arg0, %c0_i32 : i32, i32
  }
  func.func @transform_6(%arg0: i32) -> (i32, i32) {
    %c0_i32 = arith.constant 0 : i32
    %c0_i32_0 = arith.constant 0 : i32
    return %arg0, %c0_i32 : i32, i32
  }
  func.func @transform_7(%arg0: i32) -> (i32, i32) {
    %c0_i32 = arith.constant 0 : i32
    %c0_i32_0 = arith.constant 0 : i32
    %c0_i32_1 = arith.constant 0 : i32
    return %c0_i32, %c0_i32_0 : i32, i32
  }
  func.func @transform_8(%arg0: i32) -> (i32, i32) {
    %c0_i32 = arith.constant 0 : i32
    %c0_i32_0 = arith.constant 0 : i32
    %c0_i32_1 = arith.constant 0 : i32
    return %c0_i32, %c0_i32_0 : i32, i32
  }
  func.func @transform_9(%arg0: i32) -> (i32, i32) {
    %c0_i32 = arith.constant 0 : i32
    %c0_i32_0 = arith.constant 0 : i32
    %c0_i32_1 = arith.constant 0 : i32
    return %c0_i32, %c0_i32_0 : i32, i32
  }
  func.func @transform_10(%arg0: i32) -> (i32, i32) {
    %c0_i32 = arith.constant 0 : i32
    %c0_i32_0 = arith.constant 0 : i32
    %c0_i32_1 = arith.constant 0 : i32
    return %c0_i32, %c0_i32_0 : i32, i32
  }
}

</mosaic_0001>

<sc_bundles>
// kernel: kernel.6.cloned.1.call-start
scs
__scs_entry_jumppad:
0x0: {  	(pc) =	sbr.rel $0x88, $3  }
0x1: {  	(tag) =	ssettag $0x0;
	lr =	simm.s32 $0x1  }
0x2: {  	[smem:$0x3F9A] =	sst lr;
	_ =	strace $0xD0000000  }
0x3: {  	_ = 	snop  }
0x4: {  	_ = 	snop  }
0x5: {  	_ = 	snop  }
0x6: {  	_ = 	snop  }
0x7: {  	_ = 	snop  }
__scs_overlays_trampoline_lowered:
0x8: {  	[smem:$0x3FA9] =	sst s0  }
0x9: {  	[smem:$0x3FAA] =	sst s1  }
0xa: {  	[smem:$0x3FAB] =	sst s2  }
0xb: {  	[smem:$0x3FAC] =	sst s3  }
0xc: {  	[smem:$0x3FAD] =	sst s4  }
0xd: {  	[smem:$0x3FAE] =	sst s5  }
0xe: {  	[smem:$0x3FAF] =	sst s6  }
0xf: {  	[smem:$0x3FB0] =	sst s7  }
0x10: {  	[smem:$0x3FB1] =	sst s8  }
0x11: {  	[smem:$0x3FB2] =	sst s9;
	s0 =	simm.s32 @!p0 $0x0  }
0x12: {  	s1 =	sld [smem:$0x3F98];
	s0 =	simm.s32 @p0 $0x1  }
0x13: {  	[smem:$0x3FB3] =	sst s0;
	s0 =	simm.s32 @!p1 $0x0  }
0x14: {  	s2 =	sld [smem:$0x3F97];
	s0 =	simm.s32 @p1 $0x1  }
0x15: {  	[smem:$0x3FB4] =	sst s0;
	s0 =	simm.s32 @!p2 $0x0  }
0x16: {  	s3 =	sld [smem:$0x3FDB];
	s0 =	simm.s32 @p2 $0x1  }
0x17: {  	s4 =	simm.s32 $0x1BF5;
	[smem:$0x3FB6] =	sst s0  }
0x18: {  	s0 =	sld [smem:$0x3F99];
	_ =	swait.ge [sflag:s4], $0x0  }
0x19: {  	s7 =	sld [smem:$0x3F9A]  }
0x1a: {  	s8 =	sadd.s32 $0xFFFFE003, lr  }
0x1b: {  	s9 =	sadd.s32 $0xFFFFFEF7, lr;
	s5 =	simm.s32 $0xFFFFFFFF;
	p2 =	slt.u32 s8, $0xFFFFF086  }
0x1c: {  	p1 =	slt.u32 s9, $0xF7A;
	s5 =	simm.s32 @!p2 $0x0  }
0x1d: {  	s5 =	simm.s32 @p1 $0x1;
	p0 =	seq.s32 s7, s2  }
0x1e: {  	s7 =	smul.u32 @!p0 $0xF7A, s2;
	p2 =	seq.s32 @!p0 s5, $0x0  }
0x1f: {  	s9 =	smul.u32 $0xF7A, s1;
	s8 =	simm.s32 @!p0 $0x1BF5;
	p2 =	por !p2, p0  }
0x20: {  	[sflag:s8] =	ssyncset.s32 @!p0 $0xFFFFF086;
	s6 =	sadd.s32 @!p0 s3, s7;
	s7 =	simm.s32 @!p0 $0x108  }
0x21: {  	s3 =	sadd.s32 s3, s9;
	s6 =	sadd.s32 @!p0 $0x88, s6;
	s7 =	simm.s32 @p2 $0x1082  }
0x22: {  	[simem:s7], [sflag:s8] =	dma.local @!p0 [hbm:s6], $0xF7A  }
0x23: {  	s9 =	sor.u32 $0xD0000000, s2;
	s6 =	simm.s32 $0x108;
	_ =	swait.ge @!p0 [sflag:s8], $0x0  }
0x24: {  	s3 =	sadd.s32 $0x88, s3;
	s6 =	simm.s32 @!p1 $0x1082;
	[sflag:s4] =	ssyncset.s32 $0xFFFFF086  }
0x25: {  	[simem:s6], [sflag:s4] =	dma.local [hbm:s3], $0xF7A  }
0x26: {  	[smem:$0x3F9A] =	sst s1;
	(tag) =	ssettag s2;
	_ =	strace s9  }
0x27: {  	s1 =	sld [smem:$0x3FAA]  }
0x28: {  	s2 =	sld [smem:$0x3FAB]  }
0x29: {  	s4 =	sld [smem:$0x3FAD]  }
0x2a: {  	p0 =	seq.s32 s5, $0x0;
	s5 =	sld [smem:$0x3FAE]  }
0x2b: {  	s6 =	sld [smem:$0x3FAF]  }
0x2c: {  	s7 =	sld [smem:$0x3FB0]  }
0x2d: {  	s3 =	simm.s32 $0x108;
	s8 =	sld [smem:$0x3FB1]  }
0x2e: {  	s3 =	simm.s32 @!p0 $0x1082;
	s9 =	sld [smem:$0x3FB2]  }
0x2f: {  	lr =	sadd.s32 s0, s3;
	s0 =	sld [smem:$0x3FA9]  }
0x30: {  	s3 =	sld [smem:$0x3FAC]  }
0x31: {  	[smem:$0x3FB5] =	sst s10  }
0x32: {  	s10 =	sld [smem:$0x3FB3];
	_ =	sdelay $0x3  }
0x33: {  	p0 =	seq.s32 s10, $0x1;
	s10 =	sld [smem:$0x3FB5];
	_ =	sdelay $0x3  }
0x34: {  	[smem:$0x3FB5] =	sst s10  }
0x35: {  	s10 =	sld [smem:$0x3FB4];
	_ =	sdelay $0x3  }
0x36: {  	p1 =	seq.s32 s10, $0x1;
	s10 =	sld [smem:$0x3FB5];
	_ =	sdelay $0x3  }
0x37: {  	[smem:$0x3FB5] =	sst s10  }
0x38: {  	s10 =	sld [smem:$0x3FB6]  }
0x39: {  	_ = 	snop;
	(pc) =	sbr.ind lr, $3  }
0x3a: {  	_ = 	snop  }
0x3b: {  	_ = 	snop  }
0x3c: {  	p2 =	seq.s32 s10, $0x1;
	s10 =	sld [smem:$0x3FB5]  }
0x3d: {  	_ =	shalt  }
0x3e: {  	_ =	shalt  }
0x3f: {  	_ =	shalt  }
0x40: {  	_ =	shalt  }
0x41: {  	_ =	shalt  }
0x42: {  	_ =	shalt  }
0x43: {  	_ =	shalt  }
0x44: {  	_ =	shalt  }
0x45: {  	_ =	shalt  }
0x46: {  	_ =	shalt  }
0x47: {  	_ =	shalt  }
0x48: {  	_ =	shalt  }
0x49: {  	_ =	shalt  }
0x4a: {  	_ =	shalt  }
0x4b: {  	_ =	shalt  }
0x4c: {  	_ =	shalt  }
0x4d: {  	_ =	shalt  }
0x4e: {  	_ =	shalt  }
0x4f: {  	_ =	shalt  }
0x50: {  	_ =	shalt  }
0x51: {  	_ =	shalt  }
0x52: {  	_ =	shalt  }
0x53: {  	_ =	shalt  }
0x54: {  	_ =	shalt  }
0x55: {  	_ =	shalt  }
0x56: {  	_ =	shalt  }
0x57: {  	_ =	shalt  }
0x58: {  	_ =	shalt  }
0x59: {  	_ =	shalt  }
0x5a: {  	_ =	shalt  }
0x5b: {  	_ =	shalt  }
0x5c: {  	_ =	shalt  }
0x5d: {  	_ =	shalt  }
0x5e: {  	_ =	shalt  }
0x5f: {  	_ =	shalt  }
0x60: {  	_ =	shalt  }
0x61: {  	_ =	shalt  }
0x62: {  	_ =	shalt  }
0x63: {  	_ =	shalt  }
0x64: {  	_ =	shalt  }
0x65: {  	_ =	shalt  }
0x66: {  	_ =	shalt  }
0x67: {  	_ =	shalt  }
0x68: {  	_ =	shalt  }
0x69: {  	_ =	shalt  }
0x6a: {  	_ =	shalt  }
0x6b: {  	_ =	shalt  }
0x6c: {  	_ =	shalt  }
0x6d: {  	_ =	shalt  }
0x6e: {  	_ =	shalt  }
0x6f: {  	_ =	shalt  }
0x70: {  	_ =	shalt  }
0x71: {  	_ =	shalt  }
0x72: {  	_ =	shalt  }
0x73: {  	_ =	shalt  }
0x74: {  	_ =	shalt  }
0x75: {  	_ =	shalt  }
0x76: {  	_ =	shalt  }
0x77: {  	_ =	shalt  }
0x78: {  	_ =	shalt  }
0x79: {  	_ =	shalt  }
0x7a: {  	_ =	shalt  }
0x7b: {  	_ =	shalt  }
0x7c: {  	_ =	shalt  }
0x7d: {  	_ =	shalt  }
0x7e: {  	_ =	shalt  }
0x7f: {  	_ =	shalt  }
0x80: {  	_ =	shalt  }
0x81: {  	_ =	shalt  }
0x82: {  	_ =	shalt  }
0x83: {  	_ =	shalt  }
0x84: {  	_ =	shalt  }
0x85: {  	_ =	shalt  }
0x86: {  	_ =	shalt  }
0x87: {  	_ =	shalt  }
.Lfunc_end0:
.L_simem_size_0:
called_computation_lowered:
.L_overlay_start_0:
0x88: {  	s2 =	sld [smem:$0x3FD9]  }
0x89: {  	s3 =	sld [smem:$0x3FFE];
	_ =	sdelay $0x1  }
0x8a: {  	s1 =	srdreg.scid  }
0x8b: {  	s0 =	sand.u32 $0x1, s1  }
0x8c: {  	s17 =	sshll.u32 s0, $0xA;
	s2 =	sadd.s32 s3, s2  }
0x8d: {  	s2 =	sadd.s32 s2, s17  }
0x8e: {  	[smem:$0x3FC1] =	sst s2  }
0x8f: {  	_ = 	snop  }
0x90: {  	s2 =	sld [smem:$0x3FD0];
	(tm) =	ssettm $0x1  }
0x91: {  	s18 =	sld [smem:$0x3FFB];
	_ =	sdelay $0x3  }
0x92: {  	_ =	strace s18  }
0x93: {  	s3 =	sld [smem:$0x3FFC];
	_ =	sdelay $0x3  }
0x94: {  	_ =	strace s3  }
0x95: {  	s3 =	sld [smem:$0x3FFD];
	_ =	sdelay $0x3  }
0x96: {  	_ =	strace s3  }
0x97: {  	_ =	strace $0x8FFFFFFF  }
0x98: {  	s19 =	sld [smem:$0x3FDB];
	_ =	sdelay $0x1  }
0x99: {  	s4 =	simm.s32 $_scs_section_size  }
0x9a: {  	s5 =	simm.s32 $_size__tile_overlayer_lowered;
	s6 =	simm.s32 $_tile_overlayer_lowered  }
0x9b: {  	s22 =	simm.s32 $0x1BFF;
	s21 =	sshll.u32 s6, $0x1;
	s3 =	sadd.s32 s4, s19  }
0x9c: {  	s7 =	simm.s32 $0x0;
	s20 =	sshll.u32 s5, $0x1;
	s5 =	sadd.s32 s21, s3  }
0x9d: {  	[timem:s7], [sflag:s22] =	dma.local [hbm:s5], s20  }
0x9e: {  	_ =	swait.ge [sflag:s22], s20  }
0x9f: {  	s4 =	ssub.s32 $0x0, s20;
	[sflag:s22] =	ssyncset.done $0x0  }
0xa0: {  	[sflag:s22] =	ssyncadd.s32 s4;
	_ =	sdelay $0x1  }
0xa1: {  	s23 =	simm.s32 $0x1B8B  }
0xa2: {  	_ =	swait.ge [sflag:s23], $0x1  }
0xa3: {  	[sflag:s23] =	ssyncset.done $0x0  }
0xa4: {  	s25 =	simm.s32 $0x1B8E;
	s24 =	sld [smem:$0x3FFE];
	[sflag:s23] =	ssyncadd.s32 $0xFFFFFFFF  }
0xa5: {  	s26 =	simm.s32 $execute0_lowered;
	[smem:$0x3FD2] =	sst s25  }
0xa6: {  	s5 =	sshll.u32 s26, $0x1;
	_ =	strace $0x80000046;
	[dreg:$0x1] =	wrdreg $0xFFFFFFFF  }
0xa7: {  	s28 =	simm.s32 $_size_execute0_lowered;
	s3 =	sadd.s32 s3, s5;
	[dreg:$0x0] =	wrdreg $0x0  }
0xa8: {  	s5 =	sshll.u32 s28, $0x1;
	[dreg:$0x2] =	wrdreg s3  }
0xa9: {  	[dreg:$0x3] =	wrdreg s5  }
0xaa: {  	[dreg:$0x4] =	wrdreg $0xC0  }
0xab: {  	_ =	task [dreg:s7], $0x5FFFF  }
0xac: {  	[dreg:$0x1] =	wrdreg $0xFFFFFFFF  }
0xad: {  	[dreg:$0x0] =	wrdreg $0x60  }
0xae: {  	[dreg:$0x2] =	wrdreg s24  }
0xaf: {  	[dreg:$0x3] =	wrdreg s2  }
0xb0: {  	[dreg:$0x4] =	wrdreg $0x20800  }
0xb1: {  	[dreg:$0x5] =	wrdreg $0x9  }
0xb2: {  	_ =	task.clear_ibuf [dreg:s7], $0x6FFFF;
	_ =	strace $0x90000046  }
0xb3: {  	s29 =	simm.s32 $0x9;
	_ =	strace $0x80000048  }
0xb4: {  	_ =	swait.ge [sflag:s29], $0x1  }
0xb5: {  	[sflag:s29] =	ssyncadd.s32 $0xFFFFFFFF  }
0xb6: {  	_ =	strace $0x90000048  }
0xb7: {  	_ =	sfence  }
0xb8: {  	s30 =	sld [smem:$0x0];
	_ =	sdelay $0x2  }
0xb9: {  	s31 =	sshll.u32 s1, $0xD;
	s1 =	sshrl.u32 s1, $0x2  }
0xba: {  	s3 =	sand.u32 $0x4000, s31;
	s1 =	sadd.s32 s1, s30  }
0xbb: {  	s0 =	sor.u32 s3, s0;
	s1 =	sshll.u32 s1, $0x11  }
0xbc: {  	s0 =	sor.u32 s1, s0  }
0xbd: {  	s0 =	sadd.s32 $0x8F2B, s0  }
0xbe: {  	[sflag:s0] =	ssyncadd.remote.s32 $0x1  }
0xbf: {  	_ =	sfence.sel $0xFFFF  }
0xc0: {  	[dreg:$0x0] =	wrdreg $0xFFFFFFFF;
	(pc) =	sbr.abs _section_cstart, $3  }
0xc1: {  	[dreg:$0x1] =	wrdreg $0xFFFFFFFF  }
0xc2: {  	_ =	task.clear_ibuf [dreg:s7], $0x2FFFF;
	_ =	strace $0x9FFFFFFF  }
0xc3: {  	(tm) =	ssettm $0x7FFFFFFF  }
tec
execute0_lowered:
.L_overlay_start_1:
0x0: {  	(tag) =	ssettag $0x1  }
0x1: {  	s6 =	rddreg [dreg:$0x0]  }
0x2: {  	s1 =	rddreg [dreg:$0x1]  }
0x3: {  	s2 =	rddreg [dreg:$0x2]  }
0x4: {  	s0 =	rddreg [dreg:$0x3];
	s3 =	srdreg.scid  }
0x5: {  	s4 =	simm.s32 $0x0;
	s13 =	simm.s32 $0x50;
	s14 =	simm.s32 $0x20  }
0x6: {  	s15 =	simm.s32 $0x10;
	s16 =	simm.s32 $0x0;
	s7 =	sand.u32 $0x1, s3  }
0x7: {  	s3 =	stileid.u32;
	[smem:$0x7FF] =	sst s4;
	s5 =	sshll.u32 s7, $0xA  }
0x8: {  	s8 =	smul.u32 $0x500, s3;
	_ =	strace $0x80000047;
	s10 =	sshll.u32 s7, $0x7  }
0x9: {  	s7 =	ssub.s32 $0x2, s7;
	s11 =	smul.u32 $0xA00, s3;
	s29 =	sshll.u32 s3, $0xB  }
0xa: {  	s31 =	sshll.u32 s3, $0x6;
	s9 =	sadd.s32 s5, s6;
	s28 =	sshrl.u32 s7, $0x1  }
0xb: {  	s5 =	sadd.s32 $0x9200, s6;
	s8 =	sor.u32 s10, s8;
	s10 =	ssub.s32 s7, s28  }
0xc: {  	s30 =	sshrl.u32 s11, $0x2;
	s9 =	sadd.s32 s29, s9;
	s11 =	simm.s32 $0x1  }
0xd: {  	s8 =	sshrl.u32 s8, $0x3;
	s12 =	sadd.s32 s30, s2;
	s7 =	sadd.s32 $0x1200, s9  }
0xe: {  	s9 =	smax.u32 s10, $0x1;
	s8 =	sadd.s32 s8, s6;
	s6 =	sor.u32 $0x1C01, s31  }
0xf: {  	s10 =	sshrl.u32 s12, $0x3;
	s12 =	simm.s32 $0x2000;
	s8 =	sadd.s32 $0x9400, s8  }
.LBB2_1:
0x10: {  	[spmem:s10], [sflag:s6] =	dma.local [hbm:s1], $0x50  }
0x11: {  	_ =	swait.ge [sflag:s11], $0x50  }
0x12: {  	[sflag:s11] =	ssyncset.done $0x0  }
0x13: {  	[sflag:s11] =	ssyncadd.s32 $0xFFFFFFB0  }
0x14: {  	[tilespmem:s12], [sflag:$0x1] =	stream.linear.gather [hbm4b:s5+s4], $0x80, $0x38;
	[tilespmem:$0x2300] =	vst v63  }
0x15: {  	_ =	swait.ge [sflag:s11], $0x80  }
0x16: {  	[sflag:s11] =	ssyncset.done $0x0  }
0x17: {  	[sflag:s11] =	ssyncadd.s32 $0xFFFFFF80  }
0x18: {  	[tilespmem:s4], [sflag:$0x1] =	stream.linear.gather [hbm4b:s7+s4], $0x2000, $0x38;
	[tilespmem:$0x2300] =	vst v63  }
0x19: {  	_ =	swait.ge [sflag:s11], $0x2000  }
0x1a: {  	[sflag:s11] =	ssyncset.done $0x0  }
0x1b: {  	[sflag:s11] =	ssyncadd.s32 $0xFFFFE000  }
0x1c: {  	s17 =	simm.s32 $0x0;
	[bflag:$0x0] =	sbarrier.arrive $0xFFFF  }
0x1d: {  	[spmem:s2] =	stream.indirect.scatter.add.f32 [tilespmem:s12], [sflag:$0x1], $0x1, s17, s13, $0xb8;
	[tilespmem:$0x2300] =	vst v63  }
0x1e: {  	_ =	swait.ge [sflag:s11], $0x50  }
0x1f: {  	s17 =	simm.s32 $0x200;
	[sflag:s11] =	ssyncset.done $0x0  }
.LBB2_2:
0x20: {  	s18 =	sshra.s32 s17, $0x2;
	[sflag:s11] =	ssyncadd.s32 $0xFFFFFFB0;
	p0 =	sne.s32 s17, $0x7E00  }
0x21: {  	[spmem:s2] =	stream.indirect.scatter.add.f32 [tilespmem:s12], [sflag:$0x1], $0x1, s18, s13, $0xb8;
	[tilespmem:$0x2300] =	vst v63  }
.Ltmp0:
0x22: {  	_ = 	snop;
	(pc) =	sbr.rel @p0 .LBB2_2-.Ltmp0, $4  }
0x23: {  	_ = 	snop  }
0x24: {  	s17 =	sadd.s32 $0x200, s17  }
0x25: {  	_ =	swait.ge [sflag:s11], $0x50  }
0x26: {  	[sflag:s11] =	ssyncset.done $0x0  }
0x27: {  	s16 =	sadd.s32 $0x1, s16  }
0x28: {  	[sflag:s11] =	ssyncadd.s32 $0xFFFFFFB0;
	p0 =	sne.s32 s16, s9  }
.Ltmp1:
0x29: {  	[bflag:$0x0] =	sbarrier.arrive $0xFFFF;
	(pc) =	sbr.rel @p0 .LBB2_1-.Ltmp1, $4  }
0x2a: {  	[hbm:s8@s14], [sflag:s6] =	dma.strided [spmem:s10@s15], $0x50, s11, $0x10   }
0x2b: {  	_ =	swait.ge [sflag:s11], $0x50  }
0x2c: {  	[sflag:s11] =	ssyncset.done $0x0  }
0x2d: {  	[sflag:s11] =	ssyncadd.s32 $0xFFFFFFB0  }
0x2e: {  	_ =	sfence.sel $0x180000  }
0x2f: {  	[bflag:$0x0] =	sbarrier.arrive $0xFFFF  }
0x30: {  	p0 =	sne.s32 s3, $0x0;
	_ =	strace $0x90000047  }
0x31: {  	s0 =	sadd.s32 @!p0 $0x100000, s0;
	[bflag:$0x2] =	sbarrier.arrive $0xFFFF  }
0x32: {  	[sflag:s0] =	ssyncadd.tile.s32 @!p0 $0x1;
	_ =	shalt  }
.Lfunc_end2:
_tile_overlayer_lowered:
.L_overlay_start_2:
0x33: {  	(tag) =	ssettag $0x2  }
0x34: {  	s0 =	rddreg [dreg:$0x0];
	s2 =	stileid.u32  }
0x35: {  	s1 =	rddreg [dreg:$0x1];
	p0 =	sne.s32 s2, $0x0  }
0x36: {  	s3 =	rddreg [dreg:$0x2];
	[bflag:$0x3] =	sbarrier.arrive $0xFFFF;
	s2 =	simm.s32 @!p0 $0x1C01  }
0x37: {  	[timem:s3], [sflag:s2] =	dma.local @!p0 [hbm:s0], s1  }
0x38: {  	s0 =	simm.s32 @!p0 $0x1  }
0x39: {  	_ =	swait.ge @!p0 [sflag:s0], s1  }
0x3a: {  	s1 =	ssub.s32 @!p0 $0x0, s1;
	[sflag:s0] =	ssyncset.done @!p0 $0x0  }
0x3b: {  	[sflag:s0] =	ssyncadd.s32 @!p0 s1  }
0x3c: {  	[bflag:$0x3] =	sbarrier.arrive $0xFFFF  }
0x3d: {  	_ =	shalt  }

// kernel: kernel.9.cloned.1.call-start
scs
__scs_entry_jumppad:
0x0: {  	(pc) =	sbr.rel $0x88, $3  }
0x1: {  	(tag) =	ssettag $0x0;
	lr =	simm.s32 $0x1  }
0x2: {  	[smem:$0x3F9A] =	sst lr;
	_ =	strace $0xD0000000  }
0x3: {  	_ = 	snop  }
0x4: {  	_ = 	snop  }
0x5: {  	_ = 	snop  }
0x6: {  	_ = 	snop  }
0x7: {  	_ = 	snop  }
__scs_overlays_trampoline_lowered:
0x8: {  	[smem:$0x3FA9] =	sst s0  }
0x9: {  	[smem:$0x3FAA] =	sst s1  }
0xa: {  	[smem:$0x3FAB] =	sst s2  }
0xb: {  	[smem:$0x3FAC] =	sst s3  }
0xc: {  	[smem:$0x3FAD] =	sst s4  }
0xd: {  	[smem:$0x3FAE] =	sst s5  }
0xe: {  	[smem:$0x3FAF] =	sst s6  }
0xf: {  	[smem:$0x3FB0] =	sst s7  }
0x10: {  	[smem:$0x3FB1] =	sst s8  }
0x11: {  	[smem:$0x3FB2] =	sst s9;
	s0 =	simm.s32 @!p0 $0x0  }
0x12: {  	s1 =	sld [smem:$0x3F98];
	s0 =	simm.s32 @p0 $0x1  }
0x13: {  	[smem:$0x3FB3] =	sst s0;
	s0 =	simm.s32 @!p1 $0x0  }
0x14: {  	s2 =	sld [smem:$0x3F97];
	s0 =	simm.s32 @p1 $0x1  }
0x15: {  	[smem:$0x3FB4] =	sst s0;
	s0 =	simm.s32 @!p2 $0x0  }
0x16: {  	s3 =	sld [smem:$0x3FDB];
	s0 =	simm.s32 @p2 $0x1  }
0x17: {  	s4 =	simm.s32 $0x1BF5;
	[smem:$0x3FB6] =	sst s0  }
0x18: {  	s0 =	sld [smem:$0x3F99];
	_ =	swait.ge [sflag:s4], $0x0  }
0x19: {  	s7 =	sld [smem:$0x3F9A]  }
0x1a: {  	s8 =	sadd.s32 $0xFFFFE003, lr  }
0x1b: {  	s9 =	sadd.s32 $0xFFFFFEF7, lr;
	s5 =	simm.s32 $0xFFFFFFFF;
	p2 =	slt.u32 s8, $0xFFFFF086  }
0x1c: {  	p1 =	slt.u32 s9, $0xF7A;
	s5 =	simm.s32 @!p2 $0x0  }
0x1d: {  	s5 =	simm.s32 @p1 $0x1;
	p0 =	seq.s32 s7, s2  }
0x1e: {  	s7 =	smul.u32 @!p0 $0xF7A, s2;
	p2 =	seq.s32 @!p0 s5, $0x0  }
0x1f: {  	s9 =	smul.u32 $0xF7A, s1;
	s8 =	simm.s32 @!p0 $0x1BF5;
	p2 =	por !p2, p0  }
0x20: {  	[sflag:s8] =	ssyncset.s32 @!p0 $0xFFFFF086;
	s6 =	sadd.s32 @!p0 s3, s7;
	s7 =	simm.s32 @!p0 $0x108  }
0x21: {  	s3 =	sadd.s32 s3, s9;
	s6 =	sadd.s32 @!p0 $0x88, s6;
	s7 =	simm.s32 @p2 $0x1082  }
0x22: {  	[simem:s7], [sflag:s8] =	dma.local @!p0 [hbm:s6], $0xF7A  }
0x23: {  	s9 =	sor.u32 $0xD0000000, s2;
	s6 =	simm.s32 $0x108;
	_ =	swait.ge @!p0 [sflag:s8], $0x0  }
0x24: {  	s3 =	sadd.s32 $0x88, s3;
	s6 =	simm.s32 @!p1 $0x1082;
	[sflag:s4] =	ssyncset.s32 $0xFFFFF086  }
0x25: {  	[simem:s6], [sflag:s4] =	dma.local [hbm:s3], $0xF7A  }
0x26: {  	[smem:$0x3F9A] =	sst s1;
	(tag) =	ssettag s2;
	_ =	strace s9  }
0x27: {  	s1 =	sld [smem:$0x3FAA]  }
0x28: {  	s2 =	sld [smem:$0x3FAB]  }
0x29: {  	s4 =	sld [smem:$0x3FAD]  }
0x2a: {  	p0 =	seq.s32 s5, $0x0;
	s5 =	sld [smem:$0x3FAE]  }
0x2b: {  	s6 =	sld [smem:$0x3FAF]  }
0x2c: {  	s7 =	sld [smem:$0x3FB0]  }
0x2d: {  	s3 =	simm.s32 $0x108;
	s8 =	sld [smem:$0x3FB1]  }
0x2e: {  	s3 =	simm.s32 @!p0 $0x1082;
	s9 =	sld [smem:$0x3FB2]  }
0x2f: {  	lr =	sadd.s32 s0, s3;
	s0 =	sld [smem:$0x3FA9]  }
0x30: {  	s3 =	sld [smem:$0x3FAC]  }
0x31: {  	[smem:$0x3FB5] =	sst s10  }
0x32: {  	s10 =	sld [smem:$0x3FB3];
	_ =	sdelay $0x3  }
0x33: {  	p0 =	seq.s32 s10, $0x1;
	s10 =	sld [smem:$0x3FB5];
	_ =	sdelay $0x3  }
0x34: {  	[smem:$0x3FB5] =	sst s10  }
0x35: {  	s10 =	sld [smem:$0x3FB4];
	_ =	sdelay $0x3  }
0x36: {  	p1 =	seq.s32 s10, $0x1;
	s10 =	sld [smem:$0x3FB5];
	_ =	sdelay $0x3  }
0x37: {  	[smem:$0x3FB5] =	sst s10  }
0x38: {  	s10 =	sld [smem:$0x3FB6]  }
0x39: {  	_ = 	snop;
	(pc) =	sbr.ind lr, $3  }
0x3a: {  	_ = 	snop  }
0x3b: {  	_ = 	snop  }
0x3c: {  	p2 =	seq.s32 s10, $0x1;
	s10 =	sld [smem:$0x3FB5]  }
0x3d: {  	_ =	shalt  }
0x3e: {  	_ =	shalt  }
0x3f: {  	_ =	shalt  }
0x40: {  	_ =	shalt  }
0x41: {  	_ =	shalt  }
0x42: {  	_ =	shalt  }
0x43: {  	_ =	shalt  }
0x44: {  	_ =	shalt  }
0x45: {  	_ =	shalt  }
0x46: {  	_ =	shalt  }
0x47: {  	_ =	shalt  }
0x48: {  	_ =	shalt  }
0x49: {  	_ =	shalt  }
0x4a: {  	_ =	shalt  }
0x4b: {  	_ =	shalt  }
0x4c: {  	_ =	shalt  }
0x4d: {  	_ =	shalt  }
0x4e: {  	_ =	shalt  }
0x4f: {  	_ =	shalt  }
0x50: {  	_ =	shalt  }
0x51: {  	_ =	shalt  }
0x52: {  	_ =	shalt  }
0x53: {  	_ =	shalt  }
0x54: {  	_ =	shalt  }
0x55: {  	_ =	shalt  }
0x56: {  	_ =	shalt  }
0x57: {  	_ =	shalt  }
0x58: {  	_ =	shalt  }
0x59: {  	_ =	shalt  }
0x5a: {  	_ =	shalt  }
0x5b: {  	_ =	shalt  }
0x5c: {  	_ =	shalt  }
0x5d: {  	_ =	shalt  }
0x5e: {  	_ =	shalt  }
0x5f: {  	_ =	shalt  }
0x60: {  	_ =	shalt  }
0x61: {  	_ =	shalt  }
0x62: {  	_ =	shalt  }
0x63: {  	_ =	shalt  }
0x64: {  	_ =	shalt  }
0x65: {  	_ =	shalt  }
0x66: {  	_ =	shalt  }
0x67: {  	_ =	shalt  }
0x68: {  	_ =	shalt  }
0x69: {  	_ =	shalt  }
0x6a: {  	_ =	shalt  }
0x6b: {  	_ =	shalt  }
0x6c: {  	_ =	shalt  }
0x6d: {  	_ =	shalt  }
0x6e: {  	_ =	shalt  }
0x6f: {  	_ =	shalt  }
0x70: {  	_ =	shalt  }
0x71: {  	_ =	shalt  }
0x72: {  	_ =	shalt  }
0x73: {  	_ =	shalt  }
0x74: {  	_ =	shalt  }
0x75: {  	_ =	shalt  }
0x76: {  	_ =	shalt  }
0x77: {  	_ =	shalt  }
0x78: {  	_ =	shalt  }
0x79: {  	_ =	shalt  }
0x7a: {  	_ =	shalt  }
0x7b: {  	_ =	shalt  }
0x7c: {  	_ =	shalt  }
0x7d: {  	_ =	shalt  }
0x7e: {  	_ =	shalt  }
0x7f: {  	_ =	shalt  }
0x80: {  	_ =	shalt  }
0x81: {  	_ =	shalt  }
0x82: {  	_ =	shalt  }
0x83: {  	_ =	shalt  }
0x84: {  	_ =	shalt  }
0x85: {  	_ =	shalt  }
0x86: {  	_ =	shalt  }
0x87: {  	_ =	shalt  }
.Lfunc_end0:
.L_simem_size_0:
called_computation.1_lowered:
.L_overlay_start_0:
0x88: {  	s2 =	sld [smem:$0x3FD9]  }
0x89: {  	s3 =	sld [smem:$0x3FFE];
	_ =	sdelay $0x1  }
0x8a: {  	s1 =	srdreg.scid  }
0x8b: {  	s0 =	sand.u32 $0x1, s1  }
0x8c: {  	s16 =	sshll.u32 s0, $0xA;
	s2 =	sadd.s32 s3, s2  }
0x8d: {  	s2 =	sadd.s32 s2, s16  }
0x8e: {  	[smem:$0x3FC1] =	sst s2  }
0x8f: {  	_ = 	snop  }
0x90: {  	(tm) =	ssettm $0x1  }
0x91: {  	s17 =	sld [smem:$0x3FFB];
	_ =	sdelay $0x3  }
0x92: {  	_ =	strace s17  }
0x93: {  	s2 =	sld [smem:$0x3FFC];
	_ =	sdelay $0x3  }
0x94: {  	_ =	strace s2  }
0x95: {  	s2 =	sld [smem:$0x3FFD];
	_ =	sdelay $0x3  }
0x96: {  	_ =	strace s2  }
0x97: {  	_ =	strace $0x8FFFFFFF  }
0x98: {  	s18 =	sld [smem:$0x3FDB];
	_ =	sdelay $0x1  }
0x99: {  	s19 =	simm.s32 $_scs_section_size  }
0x9a: {  	s4 =	simm.s32 $_size__tile_overlayer_lowered;
	s5 =	simm.s32 $_tile_overlayer_lowered  }
0x9b: {  	s22 =	simm.s32 $0x1BFF;
	s21 =	sshll.u32 s5, $0x1;
	s2 =	sadd.s32 s19, s18  }
0x9c: {  	s6 =	simm.s32 $0x0;
	s20 =	sshll.u32 s4, $0x1;
	s4 =	sadd.s32 s21, s2  }
0x9d: {  	[timem:s6], [sflag:s22] =	dma.local [hbm:s4], s20  }
0x9e: {  	_ =	swait.ge [sflag:s22], s20  }
0x9f: {  	s3 =	ssub.s32 $0x0, s20;
	[sflag:s22] =	ssyncset.done $0x0  }
0xa0: {  	[sflag:s22] =	ssyncadd.s32 s3;
	_ =	sdelay $0x1  }
0xa1: {  	s23 =	simm.s32 $0x1B8B  }
0xa2: {  	_ =	swait.ge [sflag:s23], $0x1  }
0xa3: {  	[sflag:s23] =	ssyncset.done $0x0  }
0xa4: {  	s25 =	simm.s32 $0x1B8E;
	s24 =	sld [smem:$0x3FFE];
	[sflag:s23] =	ssyncadd.s32 $0xFFFFFFFF  }
0xa5: {  	s26 =	simm.s32 $execute0_lowered;
	[smem:$0x3FD2] =	sst s25  }
0xa6: {  	s4 =	sshll.u32 s26, $0x1;
	_ =	strace $0x80000049;
	[dreg:$0x1] =	wrdreg $0xFFFFFFFF  }
0xa7: {  	s28 =	simm.s32 $_size_execute0_lowered;
	s2 =	sadd.s32 s2, s4;
	[dreg:$0x0] =	wrdreg $0x0  }
0xa8: {  	s4 =	sshll.u32 s28, $0x1;
	[dreg:$0x2] =	wrdreg s2  }
0xa9: {  	[dreg:$0x3] =	wrdreg s4  }
0xaa: {  	[dreg:$0x4] =	wrdreg $0xC0  }
0xab: {  	_ =	task [dreg:s6], $0x5FFFF  }
0xac: {  	[dreg:$0x1] =	wrdreg $0xFFFFFFFF  }
0xad: {  	[dreg:$0x0] =	wrdreg $0x60  }
0xae: {  	[dreg:$0x2] =	wrdreg s24  }
0xaf: {  	[dreg:$0x3] =	wrdreg $0x95000  }
0xb0: {  	[dreg:$0x4] =	wrdreg $0x1D5000  }
0xb1: {  	[dreg:$0x5] =	wrdreg $0x9  }
0xb2: {  	_ =	task.clear_ibuf [dreg:s6], $0x6FFFF;
	_ =	strace $0x90000049  }
0xb3: {  	s29 =	simm.s32 $0x9;
	_ =	strace $0x8000004B  }
0xb4: {  	_ =	swait.ge [sflag:s29], $0x1  }
0xb5: {  	[sflag:s29] =	ssyncadd.s32 $0xFFFFFFFF  }
0xb6: {  	_ =	strace $0x9000004B  }
0xb7: {  	_ =	sfence  }
0xb8: {  	s30 =	sld [smem:$0x0];
	_ =	sdelay $0x2  }
0xb9: {  	s31 =	sshll.u32 s1, $0xD;
	s1 =	sshrl.u32 s1, $0x2  }
0xba: {  	s3 =	sand.u32 $0x4000, s31;
	s1 =	sadd.s32 s1, s30  }
0xbb: {  	s0 =	sor.u32 s3, s0;
	s1 =	sshll.u32 s1, $0x11  }
0xbc: {  	s0 =	sor.u32 s1, s0  }
0xbd: {  	s0 =	sadd.s32 $0x8F2B, s0  }
0xbe: {  	[sflag:s0] =	ssyncadd.remote.s32 $0x1  }
0xbf: {  	_ =	sfence.sel $0xFFFF  }
0xc0: {  	[dreg:$0x0] =	wrdreg $0xFFFFFFFF;
	(pc) =	sbr.abs _section_cstart, $3  }
0xc1: {  	[dreg:$0x1] =	wrdreg $0xFFFFFFFF  }
0xc2: {  	_ =	task.clear_ibuf [dreg:s6], $0x2FFFF;
	_ =	strace $0x9FFFFFFF  }
0xc3: {  	(tm) =	ssettm $0x7FFFFFFF  }
tec
execute0_lowered:
.L_overlay_start_1:
0x0: {  	(tag) =	ssettag $0x1  }
0x1: {  	s0 =	rddreg [dreg:$0x0]  }
0x2: {  	s2 =	rddreg [dreg:$0x1];
	s13 =	stileid.u32  }
0x3: {  	s3 =	rddreg [dreg:$0x2];
	s10 =	smul.u32 $0x14000, s13  }
0x4: {  	s1 =	srdreg.scid;
	s4 =	simm.s32 $0x0;
	s11 =	smul.u32 $0x5000, s13  }
0x5: {  	s1 =	sand.u32 $0x1, s1;
	s5 =	sshll.u32 s13, $0xB;
	s25 =	smul.u32 $0x50000, s13  }
0x6: {  	[smem:$0x7FF] =	sst s4;
	s14 =	smul.u32 $0xA000, s13;
	s6 =	sshll.u32 s1, $0xA  }
0x7: {  	s7 =	sadd.s32 $0x61E00, s0;
	s8 =	smul.u32 $0x140000, s1;
	s5 =	sor.u32 s6, s5  }
0x8: {  	_ =	strace $0x8000004A;
	s24 =	sshll.u32 s1, $0x7;
	s9 =	sadd.s32 s5, s0  }
0x9: {  	s8 =	sadd.s32 s10, s8;
	s10 =	sor.u32 s24, s11;
	s11 =	sshrl.u32 s25, $0x2  }
0xa: {  	s8 =	sshrl.u32 s8, $0x3;
	s25 =	sadd.s32 $0x59E00, s9;
	s9 =	sadd.s32 $0x1200, s9  }
0xb: {  	s12 =	sadd.s32 s8, s0;
	s8 =	sadd.s32 s11, s2;
	[dreg:$0xf] =	wrdreg s25  }
0xc: {  	s1 =	ssub.s32 $0x2, s1;
	[dreg:$0x10] =	wrdreg s9;
	s15 =	sadd.s32 $0x2800, s8  }
0xd: {  	s6 =	sadd.s32 $0x31200, s0;
	s16 =	sadd.s32 $0x5000, s8;
	[dreg:$0x4] =	wrdreg s15  }
0xe: {  	s5 =	sadd.s32 $0x9200, s0;
	s17 =	sadd.s32 $0x7800, s8;
	[dreg:$0x5] =	wrdreg s16  }
0xf: {  	s26 =	sshrl.u32 s10, $0x3;
	s18 =	sadd.s32 $0xA000, s8;
	[dreg:$0x6] =	wrdreg s17  }
0x10: {  	s10 =	sshrl.u32 s1, $0x1;
	s19 =	sadd.s32 $0xC800, s8;
	[dreg:$0x7] =	wrdreg s18  }
0x11: {  	s0 =	sadd.s32 s26, s0;
	s20 =	sadd.s32 $0xF000, s8;
	[dreg:$0x8] =	wrdreg s19  }
0x12: {  	s1 =	ssub.s32 s1, s10;
	s21 =	sadd.s32 $0x11800, s8;
	[dreg:$0x9] =	wrdreg s20  }
0x13: {  	s10 =	sshrl.u32 s14, $0x2;
	s26 =	sadd.s32 $0x62400, s12;
	[dreg:$0xa] =	wrdreg s21  }
0x14: {  	s0 =	sadd.s32 $0x31800, s0;
	s16 =	sadd.s32 s10, s3;
	[dreg:$0x11] =	wrdreg s26  }
0x15: {  	[dreg:$0x12] =	wrdreg s0;
	s10 =	sadd.s32 $0x200, s16  }
0x16: {  	s22 =	sadd.s32 $0x400, s16;
	[dreg:$0xb] =	wrdreg s10  }
0x17: {  	s23 =	sadd.s32 $0x600, s16;
	[dreg:$0xc] =	wrdreg s22  }
0x18: {  	s24 =	sadd.s32 $0x800, s16;
	[dreg:$0xd] =	wrdreg s23  }
0x19: {  	s11 =	sadd.s32 $0xA00, s16;
	[dreg:$0xe] =	wrdreg s24  }
0x1a: {  	s12 =	sadd.s32 $0xC00, s16;
	[dreg:$0x14] =	wrdreg s11  }
0x1b: {  	s13 =	sadd.s32 $0xE00, s16;
	[dreg:$0x15] =	wrdreg s12  }
0x1c: {  	s14 =	sadd.s32 $0x1000, s16;
	[dreg:$0x16] =	wrdreg s13  }
0x1d: {  	s15 =	sadd.s32 $0x1200, s16;
	[dreg:$0x17] =	wrdreg s14  }
0x1e: {  	s17 =	sadd.s32 $0x1400, s16;
	[dreg:$0x18] =	wrdreg s15  }
0x1f: {  	s28 =	simm.s32 $0x6800;
	s18 =	sadd.s32 $0x1600, s16;
	[dreg:$0x19] =	wrdreg s17  }
0x20: {  	s29 =	simm.s32 $0x9080;
	s19 =	sadd.s32 $0x1800, s16;
	[dreg:$0x1a] =	wrdreg s18  }
0x21: {  	s30 =	simm.s32 $0x9180;
	s20 =	sadd.s32 $0x1A00, s16;
	[dreg:$0x1b] =	wrdreg s19  }
0x22: {  	s31 =	simm.s32 $0x5;
	s21 =	sadd.s32 $0x1C00, s16;
	[dreg:$0x1c] =	wrdreg s20  }
0x23: {  	s0 =	simm.s32 $0x9200;
	s25 =	sadd.s32 $0x2400, s16;
	[dreg:$0x1d] =	wrdreg s21  }
0x24: {  	s26 =	sadd.s32 $0x2600, s16;
	s10 =	smax.u32 s1, $0x1;
	[smem:$0x7FC] =	sst s25  }
0x25: {  	s22 =	sadd.s32 $0x1E00, s16;
	s23 =	sadd.s32 $0x2000, s16;
	[smem:$0x7FD] =	sst s26  }
0x26: {  	s24 =	sadd.s32 $0x2200, s16;
	s18 =	simm.s32 $0x4000;
	[dreg:$0x13] =	wrdreg s10  }
0x27: {  	s19 =	simm.s32 $0x9300;
	s20 =	simm.s32 $0x2000;
	[dreg:$0x1e] =	wrdreg s22  }
0x28: {  	s21 =	simm.s32 $0x1;
	s25 =	simm.s32 $0x50;
	[dreg:$0x1f] =	wrdreg s23  }
0x29: {  	s26 =	simm.s32 $0x9000;
	s1 =	simm.s32 $0x9280;
	[smem:$0x7FB] =	sst s24  }
0x2a: {  	v0 =	vimm.f32 $0.0e+00;
	s22 =	simm.s32 $0x2;
	s23 =	simm.s32 $0x3;
	s24 =	simm.s32 $0x4  }
.LBB2_1:
0x2b: {  	s9 =	simm.s32 $0x0;
	s10 =	simm.s32 $0x200  }
.LBB2_2:
0x2c: {  	p0 =	sne.s32 s10, $0x9E00;
	[tilespmem:s9+$0x4070] =	vst v0  }
0x2d: {  	[tilespmem:s9+$0x4000] =	vst v0  }
0x2e: {  	[tilespmem:s9+$0x4010] =	vst v0  }
.Ltmp0:
0x2f: {  	[tilespmem:s9+$0x4020] =	vst v0;
	(pc) =	sbr.rel @p0 .LBB2_2-.Ltmp0, $4  }
0x30: {  	[tilespmem:s9+$0x4030] =	vst v0  }
0x31: {  	[tilespmem:s9+$0x4040] =	vst v0  }
0x32: {  	[tilespmem:s9+$0x4050] =	vst v0  }
0x33: {  	[tilespmem:s9+$0x4060] =	vst v0;
	s9 =	sshra.s32 s10, $0x2;
	s10 =	sadd.s32 $0x200, s10  }
0x34: {  	[tilespmem:s9+$0x4070] =	vst v0  }
0x35: {  	[tilespmem:s9+$0x4000] =	vst v0  }
0x36: {  	[tilespmem:s9+$0x4010] =	vst v0  }
0x37: {  	[tilespmem:s9+$0x4020] =	vst v0  }
0x38: {  	[tilespmem:s9+$0x4030] =	vst v0  }
0x39: {  	[tilespmem:s9+$0x4040] =	vst v0  }
0x3a: {  	[tilespmem:s9+$0x4050] =	vst v0  }
0x3b: {  	[tilespmem:s9+$0x4060] =	vst v0  }
0x3c: {  	[tilespmem:$0x9300] =	vst v0  }
0x3d: {  	[tilespmem:$0x9310] =	vst v0  }
0x3e: {  	[tilespmem:$0x9320] =	vst v0  }
0x3f: {  	[tilespmem:$0x9330] =	vst v0  }
0x40: {  	[tilespmem:$0x9340] =	vst v0  }
0x41: {  	[tilespmem:$0x9350] =	vst v0  }
0x42: {  	[tilespmem:$0x9360] =	vst v0  }
0x43: {  	[tilespmem:$0x9370] =	vst v0  }
0x44: {  	[tilespmem:$0x9380] =	vst v0  }
0x45: {  	[tilespmem:$0x9390] =	vst v0  }
0x46: {  	[tilespmem:$0x93A0] =	vst v0  }
0x47: {  	[tilespmem:$0x93B0] =	vst v0  }
0x48: {  	[tilespmem:$0x93C0] =	vst v0  }
0x49: {  	[tilespmem:$0x93D0] =	vst v0  }
0x4a: {  	[tilespmem:$0x93E0] =	vst v0  }
0x4b: {  	[tilespmem:$0x93F0] =	vst v0  }
0x4c: {  	[tilespmem:$0x9400] =	vst v0  }
0x4d: {  	[tilespmem:$0x9410] =	vst v0  }
0x4e: {  	[tilespmem:$0x9420] =	vst v0  }
0x4f: {  	[tilespmem:$0x9430] =	vst v0  }
0x50: {  	[tilespmem:$0x9440] =	vst v0  }
0x51: {  	[tilespmem:$0x9450] =	vst v0  }
0x52: {  	[tilespmem:$0x9460] =	vst v0  }
0x53: {  	[tilespmem:$0x9470] =	vst v0  }
0x54: {  	[tilespmem:$0x9480] =	vst v0  }
0x55: {  	[tilespmem:$0x9490] =	vst v0  }
0x56: {  	[tilespmem:$0x94A0] =	vst v0  }
0x57: {  	[tilespmem:$0x94B0] =	vst v0  }
0x58: {  	[tilespmem:$0x94C0] =	vst v0  }
0x59: {  	[tilespmem:$0x94D0] =	vst v0  }
0x5a: {  	[tilespmem:$0x94E0] =	vst v0  }
0x5b: {  	[tilespmem:$0x94F0] =	vst v0  }
0x5c: {  	[spmem:s8] =	stream.linear.scatter [tilespmem:s18], [sflag:$0x1], $0x2800, $0x38;
	[tilespmem:$0x1FD00] =	vst v63  }
0x5d: {  	s11 =	rddreg [dreg:$0x4]  }
0x5e: {  	[spmem:s11] =	stream.linear.scatter [tilespmem:s18], [sflag:$0x1], $0x2800, $0x38;
	[tilespmem:$0x1FD00] =	vst v63  }
0x5f: {  	s12 =	rddreg [dreg:$0x5]  }
0x60: {  	[spmem:s12] =	stream.linear.scatter [tilespmem:s18], [sflag:$0x1], $0x2800, $0x38;
	[tilespmem:$0x1FD00] =	vst v63  }
0x61: {  	s13 =	rddreg [dreg:$0x6]  }
0x62: {  	[spmem:s13] =	stream.linear.scatter [tilespmem:s18], [sflag:$0x1], $0x2800, $0x38;
	[tilespmem:$0x1FD00] =	vst v63  }
0x63: {  	s14 =	rddreg [dreg:$0x7]  }
0x64: {  	[spmem:s14] =	stream.linear.scatter [tilespmem:s18], [sflag:$0x1], $0x2800, $0x38;
	[tilespmem:$0x1FD00] =	vst v63  }
0x65: {  	s15 =	rddreg [dreg:$0x8]  }
0x66: {  	[spmem:s15] =	stream.linear.scatter [tilespmem:s18], [sflag:$0x1], $0x2800, $0x38;
	[tilespmem:$0x1FD00] =	vst v63  }
0x67: {  	s17 =	rddreg [dreg:$0x9]  }
0x68: {  	[spmem:s17] =	stream.linear.scatter [tilespmem:s18], [sflag:$0x1], $0x2800, $0x38;
	[tilespmem:$0x1FD00] =	vst v63  }
0x69: {  	s10 =	rddreg [dreg:$0xa]  }
0x6a: {  	[spmem:s10] =	stream.linear.scatter [tilespmem:s18], [sflag:$0x1], $0x2800, $0x38;
	[tilespmem:$0x1FD00] =	vst v63  }
0x6b: {  	s11 =	rddreg [dreg:$0xb]  }
0x6c: {  	[spmem:s16] =	stream.linear.scatter [tilespmem:s19], [sflag:$0x2], $0x200, $0x38;
	[tilespmem:$0x1FD00] =	vst v63  }
0x6d: {  	s12 =	rddreg [dreg:$0xc]  }
0x6e: {  	[spmem:s11] =	stream.linear.scatter [tilespmem:s19], [sflag:$0x2], $0x200, $0x38;
	[tilespmem:$0x1FD00] =	vst v63  }
0x6f: {  	s13 =	rddreg [dreg:$0xd]  }
0x70: {  	[spmem:s12] =	stream.linear.scatter [tilespmem:s19], [sflag:$0x2], $0x200, $0x38;
	[tilespmem:$0x1FD00] =	vst v63  }
0x71: {  	s14 =	rddreg [dreg:$0xe]  }
0x72: {  	[spmem:s13] =	stream.linear.scatter [tilespmem:s19], [sflag:$0x2], $0x200, $0x38;
	[tilespmem:$0x1FD00] =	vst v63  }
0x73: {  	s15 =	rddreg [dreg:$0x14]  }
0x74: {  	[spmem:s14] =	stream.linear.scatter [tilespmem:s19], [sflag:$0x2], $0x200, $0x38;
	[tilespmem:$0x1FD00] =	vst v63  }
0x75: {  	s17 =	rddreg [dreg:$0x15]  }
0x76: {  	[spmem:s15] =	stream.linear.scatter [tilespmem:s19], [sflag:$0x2], $0x200, $0x38;
	[tilespmem:$0x1FD00] =	vst v63  }
0x77: {  	s10 =	rddreg [dreg:$0x16]  }
0x78: {  	[spmem:s17] =	stream.linear.scatter [tilespmem:s19], [sflag:$0x2], $0x200, $0x38;
	[tilespmem:$0x1FD00] =	vst v63  }
0x79: {  	s11 =	rddreg [dreg:$0x17]  }
0x7a: {  	[spmem:s10] =	stream.linear.scatter [tilespmem:s19], [sflag:$0x2], $0x200, $0x38;
	[tilespmem:$0x1FD00] =	vst v63  }
0x7b: {  	s12 =	rddreg [dreg:$0x18]  }
0x7c: {  	[spmem:s11] =	stream.linear.scatter [tilespmem:s19], [sflag:$0x2], $0x200, $0x38;
	[tilespmem:$0x1FD00] =	vst v63  }
0x7d: {  	s13 =	rddreg [dreg:$0x19]  }
0x7e: {  	[spmem:s12] =	stream.linear.scatter [tilespmem:s19], [sflag:$0x2], $0x200, $0x38;
	[tilespmem:$0x1FD00] =	vst v63  }
0x7f: {  	s14 =	rddreg [dreg:$0x1a]  }
0x80: {  	[spmem:s13] =	stream.linear.scatter [tilespmem:s19], [sflag:$0x2], $0x200, $0x38;
	[tilespmem:$0x1FD00] =	vst v63  }
0x81: {  	s15 =	rddreg [dreg:$0x1b]  }
0x82: {  	[spmem:s14] =	stream.linear.scatter [tilespmem:s19], [sflag:$0x2], $0x200, $0x38;
	[tilespmem:$0x1FD00] =	vst v63  }
0x83: {  	s17 =	rddreg [dreg:$0x1c]  }
0x84: {  	[spmem:s15] =	stream.linear.scatter [tilespmem:s19], [sflag:$0x2], $0x200, $0x38;
	[tilespmem:$0x1FD00] =	vst v63  }
0x85: {  	s10 =	rddreg [dreg:$0x1d]  }
0x86: {  	[spmem:s17] =	stream.linear.scatter [tilespmem:s19], [sflag:$0x2], $0x200, $0x38;
	[tilespmem:$0x1FD00] =	vst v63  }
0x87: {  	s11 =	rddreg [dreg:$0x1e]  }
0x88: {  	[spmem:s10] =	stream.linear.scatter [tilespmem:s19], [sflag:$0x2], $0x200, $0x38;
	[tilespmem:$0x1FD00] =	vst v63  }
0x89: {  	s12 =	rddreg [dreg:$0x1f]  }
0x8a: {  	[spmem:s11] =	stream.linear.scatter [tilespmem:s19], [sflag:$0x2], $0x200, $0x38;
	[tilespmem:$0x1FD00] =	vst v63  }
0x8b: {  	s13 =	sld [smem:$0x7FB]  }
0x8c: {  	[spmem:s12] =	stream.linear.scatter [tilespmem:s19], [sflag:$0x2], $0x200, $0x38;
	[tilespmem:$0x1FD00] =	vst v63  }
0x8d: {  	s14 =	sld [smem:$0x7FC]  }
0x8e: {  	[spmem:s13] =	stream.linear.scatter [tilespmem:s19], [sflag:$0x2], $0x200, $0x38;
	[tilespmem:$0x1FD00] =	vst v63  }
0x8f: {  	s15 =	sld [smem:$0x7FD]  }
0x90: {  	[spmem:s14] =	stream.linear.scatter [tilespmem:s19], [sflag:$0x2], $0x200, $0x38;
	[tilespmem:$0x1FD00] =	vst v63  }
0x91: {  	_ = 	snop  }
0x92: {  	[spmem:s15] =	stream.linear.scatter [tilespmem:s19], [sflag:$0x2], $0x200, $0x38;
	[tilespmem:$0x1FD00] =	vst v63  }
0x93: {  	s17 =	simm.s32 $0x0;
	s10 =	rddreg [dreg:$0xf]  }
0x94: {  	[tilespmem:s17], [sflag:$0x3] =	stream.linear.gather [hbm4b:s10+s17], $0x2000, $0x38;
	[tilespmem:$0x1FD00] =	vst v63  }
0x95: {  	s11 =	rddreg [dreg:$0x10]  }
0x96: {  	[tilespmem:s20], [sflag:$0x4] =	stream.linear.gather [hbm4b:s11+s17], $0x2000, $0x38;
	[tilespmem:$0x1FD00] =	vst v63  }
0x97: {  	_ =	swait.ge [sflag:s21], $0x2800  }
0x98: {  	[sflag:s21] =	ssyncset.done $0x0  }
0x99: {  	[sflag:s21] =	ssyncadd.s32 $0xFFFFD800  }
0x9a: {  	_ =	swait.ge [sflag:s21], $0x2800  }
0x9b: {  	[sflag:s21] =	ssyncset.done $0x0  }
0x9c: {  	[sflag:s21] =	ssyncadd.s32 $0xFFFFD800  }
0x9d: {  	_ =	swait.ge [sflag:s21], $0x2800  }
0x9e: {  	[sflag:s21] =	ssyncset.done $0x0  }
0x9f: {  	[sflag:s21] =	ssyncadd.s32 $0xFFFFD800  }
0xa0: {  	_ =	swait.ge [sflag:s21], $0x2800  }
0xa1: {  	[sflag:s21] =	ssyncset.done $0x0  }
0xa2: {  	[sflag:s21] =	ssyncadd.s32 $0xFFFFD800  }
0xa3: {  	_ =	swait.ge [sflag:s21], $0x2800  }
0xa4: {  	[sflag:s21] =	ssyncset.done $0x0  }
0xa5: {  	[sflag:s21] =	ssyncadd.s32 $0xFFFFD800  }
0xa6: {  	_ =	swait.ge [sflag:s21], $0x2800  }
0xa7: {  	[sflag:s21] =	ssyncset.done $0x0  }
0xa8: {  	[sflag:s21] =	ssyncadd.s32 $0xFFFFD800  }
0xa9: {  	_ =	swait.ge [sflag:s21], $0x2800  }
0xaa: {  	[sflag:s21] =	ssyncset.done $0x0  }
0xab: {  	[sflag:s21] =	ssyncadd.s32 $0xFFFFD800  }
0xac: {  	_ =	swait.ge [sflag:s21], $0x2800  }
0xad: {  	[sflag:s21] =	ssyncset.done $0x0  }
0xae: {  	[sflag:s21] =	ssyncadd.s32 $0xFFFFD800  }
0xaf: {  	_ =	swait.ge [sflag:s22], $0x200  }
0xb0: {  	[sflag:s22] =	ssyncset.done $0x0  }
0xb1: {  	[sflag:s22] =	ssyncadd.s32 $0xFFFFFE00  }
0xb2: {  	_ =	swait.ge [sflag:s22], $0x200  }
0xb3: {  	[sflag:s22] =	ssyncset.done $0x0  }
0xb4: {  	[sflag:s22] =	ssyncadd.s32 $0xFFFFFE00  }
0xb5: {  	_ =	swait.ge [sflag:s22], $0x200  }
0xb6: {  	[sflag:s22] =	ssyncset.done $0x0  }
0xb7: {  	[sflag:s22] =	ssyncadd.s32 $0xFFFFFE00  }
0xb8: {  	_ =	swait.ge [sflag:s22], $0x200  }
0xb9: {  	[sflag:s22] =	ssyncset.done $0x0  }
0xba: {  	[sflag:s22] =	ssyncadd.s32 $0xFFFFFE00  }
0xbb: {  	_ =	swait.ge [sflag:s22], $0x200  }
0xbc: {  	[sflag:s22] =	ssyncset.done $0x0  }
0xbd: {  	[sflag:s22] =	ssyncadd.s32 $0xFFFFFE00  }
0xbe: {  	_ =	swait.ge [sflag:s22], $0x200  }
0xbf: {  	[sflag:s22] =	ssyncset.done $0x0  }
0xc0: {  	[sflag:s22] =	ssyncadd.s32 $0xFFFFFE00  }
0xc1: {  	_ =	swait.ge [sflag:s22], $0x200  }
0xc2: {  	[sflag:s22] =	ssyncset.done $0x0  }
0xc3: {  	[sflag:s22] =	ssyncadd.s32 $0xFFFFFE00  }
0xc4: {  	_ =	swait.ge [sflag:s22], $0x200  }
0xc5: {  	[sflag:s22] =	ssyncset.done $0x0  }
0xc6: {  	[sflag:s22] =	ssyncadd.s32 $0xFFFFFE00  }
0xc7: {  	_ =	swait.ge [sflag:s22], $0x200  }
0xc8: {  	[sflag:s22] =	ssyncset.done $0x0  }
0xc9: {  	[sflag:s22] =	ssyncadd.s32 $0xFFFFFE00  }
0xca: {  	_ =	swait.ge [sflag:s22], $0x200  }
0xcb: {  	[sflag:s22] =	ssyncset.done $0x0  }
0xcc: {  	[sflag:s22] =	ssyncadd.s32 $0xFFFFFE00  }
0xcd: {  	_ =	swait.ge [sflag:s22], $0x200  }
0xce: {  	[sflag:s22] =	ssyncset.done $0x0  }
0xcf: {  	[sflag:s22] =	ssyncadd.s32 $0xFFFFFE00  }
0xd0: {  	_ =	swait.ge [sflag:s22], $0x200  }
0xd1: {  	[sflag:s22] =	ssyncset.done $0x0  }
0xd2: {  	[sflag:s22] =	ssyncadd.s32 $0xFFFFFE00  }
0xd3: {  	_ =	swait.ge [sflag:s22], $0x200  }
0xd4: {  	[sflag:s22] =	ssyncset.done $0x0  }
0xd5: {  	[sflag:s22] =	ssyncadd.s32 $0xFFFFFE00  }
0xd6: {  	_ =	swait.ge [sflag:s22], $0x200  }
0xd7: {  	[sflag:s22] =	ssyncset.done $0x0  }
0xd8: {  	[sflag:s22] =	ssyncadd.s32 $0xFFFFFE00  }
0xd9: {  	_ =	swait.ge [sflag:s22], $0x200  }
0xda: {  	[sflag:s22] =	ssyncset.done $0x0  }
0xdb: {  	[sflag:s22] =	ssyncadd.s32 $0xFFFFFE00  }
0xdc: {  	_ =	swait.ge [sflag:s22], $0x200  }
0xdd: {  	[sflag:s22] =	ssyncset.done $0x0  }
0xde: {  	[sflag:s22] =	ssyncadd.s32 $0xFFFFFE00  }
0xdf: {  	_ =	swait.ge [sflag:s22], $0x200  }
0xe0: {  	[sflag:s22] =	ssyncset.done $0x0  }
0xe1: {  	[sflag:s22] =	ssyncadd.s32 $0xFFFFFE00  }
0xe2: {  	_ =	swait.ge [sflag:s22], $0x200  }
0xe3: {  	[sflag:s22] =	ssyncset.done $0x0  }
0xe4: {  	[sflag:s22] =	ssyncadd.s32 $0xFFFFFE00  }
0xe5: {  	_ =	swait.ge [sflag:s22], $0x200  }
0xe6: {  	[sflag:s22] =	ssyncset.done $0x0  }
0xe7: {  	[sflag:s22] =	ssyncadd.s32 $0xFFFFFE00  }
0xe8: {  	_ =	swait.ge [sflag:s22], $0x200  }
0xe9: {  	[sflag:s22] =	ssyncset.done $0x0  }
0xea: {  	[sflag:s22] =	ssyncadd.s32 $0xFFFFFE00  }
0xeb: {  	_ =	swait.ge [sflag:s23], $0x2000  }
0xec: {  	[sflag:s23] =	ssyncset.done $0x0  }
0xed: {  	[sflag:s23] =	ssyncadd.s32 $0xFFFFE000  }
0xee: {  	_ =	swait.ge [sflag:s24], $0x2000  }
0xef: {  	[sflag:s24] =	ssyncset.done $0x0  }
0xf0: {  	[sflag:s24] =	ssyncadd.s32 $0xFFFFE000  }
0xf1: {  	[bflag:$0x0] =	sbarrier.arrive $0xFFFF  }
0xf2: {  	[tilespmem:s18], [sflag:$0x1] =	stream.indirect.gather [hbm4b:s5+s25], $0x80, s17, s25, $0xb8;
	[tilespmem:$0x1FD00] =	vst v63  }
0xf3: {  	_ = 	snop  }
0xf4: {  	[tilespmem:s26], [sflag:$0x3] =	stream.indirect.gather [hbm4b:s6+s25], $0x1, s20, s25, $0xb8;
	[tilespmem:$0x1FD00] =	vst v63  }
0xf5: {  	s12 =	simm.s32 $0x9100  }
0xf6: {  	[tilespmem:s12], [sflag:$0x3] =	stream.indirect.gather [hbm4b:s7+s25], $0x1, s20, s25, $0xb8;
	[tilespmem:$0x1FD00] =	vst v63  }
0xf7: {  	s13 =	simm.s32 $0x80  }
0xf8: {  	[tilespmem:s28], [sflag:$0x2] =	stream.indirect.gather [hbm4b:s5+s25], $0x80, s13, s25, $0xb8;
	[tilespmem:$0x1FD00] =	vst v63  }
0xf9: {  	s14 =	simm.s32 $0x2080  }
0xfa: {  	[tilespmem:s29], [sflag:$0x4] =	stream.indirect.gather [hbm4b:s6+s25], $0x1, s14, s25, $0xb8;
	[tilespmem:$0x1FD00] =	vst v63  }
0xfb: {  	_ = 	snop  }
0xfc: {  	[tilespmem:s30], [sflag:$0x4] =	stream.indirect.gather [hbm4b:s7+s25], $0x1, s14, s25, $0xb8;
	[tilespmem:$0x1FD00] =	vst v63  }
0xfd: {  	_ =	swait.ge [sflag:s21], $0x2800  }
0xfe: {  	[sflag:s21] =	ssyncset.done $0x0  }
0xff: {  	s15 =	simm.s32 $0x2000;
	[sflag:s21] =	ssyncadd.s32 $0xFFFFD800  }
0x100: {  	[spmem:s2] =	stream.indirect.scatter.add.f32 [tilespmem:s18], [sflag:$0x5], $0x80, s15, s25, $0xb8;
	[tilespmem:$0x1FD00] =	vst v63  }
0x101: {  	_ =	swait.ge [sflag:s31], $0x2800  }
0x102: {  	[sflag:s31] =	ssyncset.done $0x0  }
0x103: {  	[sflag:s31] =	ssyncadd.s32 $0xFFFFD800  }
0x104: {  	_ =	swait.ge [sflag:s23], $0x50  }
0x105: {  	[sflag:s23] =	ssyncset.done $0x0  }
0x106: {  	[sflag:s23] =	ssyncadd.s32 $0xFFFFFFB0  }
0x107: {  	_ =	swait.ge [sflag:s23], $0x50  }
0x108: {  	[sflag:s23] =	ssyncset.done $0x0  }
0x109: {  	s17 =	simm.s32 $0x0;
	[sflag:s23] =	ssyncadd.s32 $0xFFFFFFB0  }
0x10a: {  	v1 =	vld [tilespmem:s17+$0x0]  }
0x10b: {  	v2 =	vld [tilespmem:$0x9100];
	_ =	sdelay $0x3  }
0x10c: {  	v1 =	vshll.u32 v1, $0x4  }
0x10d: {  	v1 =	vadd.s32 v2, v1  }
0x10e: {  	[tilespmem:$0x9200] =	vst v1  }
0x10f: {  	v1 =	vld [tilespmem:s17+$0x10]  }
0x110: {  	v2 =	vld [tilespmem:$0x9110];
	_ =	sdelay $0x3  }
0x111: {  	v1 =	vshll.u32 v1, $0x4  }
0x112: {  	v1 =	vadd.s32 v2, v1  }
0x113: {  	[tilespmem:$0x9210] =	vst v1  }
0x114: {  	v1 =	vld [tilespmem:s17+$0x20]  }
0x115: {  	v2 =	vld [tilespmem:$0x9120];
	_ =	sdelay $0x3  }
0x116: {  	v1 =	vshll.u32 v1, $0x4  }
0x117: {  	v1 =	vadd.s32 v2, v1  }
0x118: {  	[tilespmem:$0x9220] =	vst v1  }
0x119: {  	v1 =	vld [tilespmem:s17+$0x30]  }
0x11a: {  	v2 =	vld [tilespmem:$0x9130];
	_ =	sdelay $0x3  }
0x11b: {  	v1 =	vshll.u32 v1, $0x4  }
0x11c: {  	v1 =	vadd.s32 v2, v1  }
0x11d: {  	[tilespmem:$0x9230] =	vst v1  }
0x11e: {  	v1 =	vld [tilespmem:s17+$0x40]  }
0x11f: {  	v2 =	vld [tilespmem:$0x9140];
	_ =	sdelay $0x3  }
0x120: {  	v1 =	vshll.u32 v1, $0x4  }
0x121: {  	v1 =	vadd.s32 v2, v1  }
0x122: {  	[tilespmem:$0x9240] =	vst v1  }
0x123: {  	[spmem:s3] =	stream.indirect.scatter.add.f32 [tilespmem:s26], [sflag:$0x5], $0x1, s0, s25, $0xb8;
	[tilespmem:$0x1FD00] =	vst v63  }
0x124: {  	p0 =	por $0x0, $0x0;
	_ =	swait.ge [sflag:s31], $0x50  }
0x125: {  	s11 =	simm.s32 @!p0 $0x4000;
	[sflag:s31] =	ssyncset.done $0x0  }
0x126: {  	s12 =	simm.s32 @!p0 $0x100;
	s13 =	simm.s32 @!p0 $0x50;
	[sflag:s31] =	ssyncadd.s32 $0xFFFFFFB0  }
0x127: {  	[tilespmem:s11], [sflag:$0x1] =	stream.indirect.gather @!p0 [hbm4b:s5+s13], $0x80, s12, s13, $0xb8;
	[tilespmem:$0x1FD00] =	vst v63  }
0x128: {  	s11 =	simm.s32 @!p0 $0x2100;
	s12 =	simm.s32 @!p0 $0x9000  }
0x129: {  	[tilespmem:s12], [sflag:$0x3] =	stream.indirect.gather @!p0 [hbm4b:s6+s13], $0x1, s11, s13, $0xb8;
	[tilespmem:$0x1FD00] =	vst v63  }
0x12a: {  	s12 =	simm.s32 @!p0 $0x9100  }
0x12b: {  	[tilespmem:s12], [sflag:$0x3] =	stream.indirect.gather @!p0 [hbm4b:s7+s13], $0x1, s11, s13, $0xb8;
	[tilespmem:$0x1FD00] =	vst v63  }
0x12c: {  	_ =	swait.ge [sflag:s22], $0x2800  }
0x12d: {  	[sflag:s22] =	ssyncset.done $0x0  }
0x12e: {  	[sflag:s22] =	ssyncadd.s32 $0xFFFFD800  }
0x12f: {  	[spmem:s2] =	stream.indirect.scatter.add.f32 [tilespmem:s28], [sflag:$0x5], $0x80, s14, s25, $0xb8;
	[tilespmem:$0x1FD00] =	vst v63  }
0x130: {  	_ =	swait.ge [sflag:s31], $0x2800  }
0x131: {  	[sflag:s31] =	ssyncset.done $0x0  }
0x132: {  	[sflag:s31] =	ssyncadd.s32 $0xFFFFD800  }
0x133: {  	_ =	swait.ge [sflag:s24], $0x50  }
0x134: {  	[sflag:s24] =	ssyncset.done $0x0  }
0x135: {  	[sflag:s24] =	ssyncadd.s32 $0xFFFFFFB0  }
0x136: {  	_ =	swait.ge [sflag:s24], $0x50  }
0x137: {  	[sflag:s24] =	ssyncset.done $0x0  }
0x138: {  	[sflag:s24] =	ssyncadd.s32 $0xFFFFFFB0  }
0x139: {  	v1 =	vld [tilespmem:s17+$0x80]  }
0x13a: {  	v2 =	vld [tilespmem:$0x9180];
	_ =	sdelay $0x3  }
0x13b: {  	v1 =	vshll.u32 v1, $0x4  }
0x13c: {  	v1 =	vadd.s32 v2, v1  }
0x13d: {  	[tilespmem:$0x9280] =	vst v1  }
0x13e: {  	v1 =	vld [tilespmem:s17+$0x90]  }
0x13f: {  	v2 =	vld [tilespmem:$0x9190];
	_ =	sdelay $0x3  }
0x140: {  	v1 =	vshll.u32 v1, $0x4  }
0x141: {  	v1 =	vadd.s32 v2, v1  }
0x142: {  	[tilespmem:$0x9290] =	vst v1  }
0x143: {  	v1 =	vld [tilespmem:s17+$0xA0]  }
0x144: {  	v2 =	vld [tilespmem:$0x91A0];
	_ =	sdelay $0x3  }
0x145: {  	v1 =	vshll.u32 v1, $0x4  }
0x146: {  	v1 =	vadd.s32 v2, v1  }
0x147: {  	[tilespmem:$0x92A0] =	vst v1  }
0x148: {  	v1 =	vld [tilespmem:s17+$0xB0]  }
0x149: {  	v2 =	vld [tilespmem:$0x91B0];
	_ =	sdelay $0x3  }
0x14a: {  	v1 =	vshll.u32 v1, $0x4  }
0x14b: {  	v1 =	vadd.s32 v2, v1  }
0x14c: {  	[tilespmem:$0x92B0] =	vst v1  }
0x14d: {  	v1 =	vld [tilespmem:s17+$0xC0]  }
0x14e: {  	v2 =	vld [tilespmem:$0x91C0];
	_ =	sdelay $0x3  }
0x14f: {  	v1 =	vshll.u32 v1, $0x4  }
0x150: {  	v1 =	vadd.s32 v2, v1  }
0x151: {  	[tilespmem:$0x92C0] =	vst v1  }
0x152: {  	[spmem:s3] =	stream.indirect.scatter.add.f32 [tilespmem:s29], [sflag:$0x5], $0x1, s1, s25, $0xb8;
	[tilespmem:$0x1FD00] =	vst v63  }
0x153: {  	s9 =	simm.s32 $0x100;
	_ =	swait.ge [sflag:s31], $0x50  }
0x154: {  	s10 =	simm.s32 $0x400;
	s11 =	simm.s32 $0x800;
	[sflag:s31] =	ssyncset.done $0x0  }
.LBB2_4:
0x155: {  	s12 =	sadd.s32 $0x80, s9  }
0x156: {  	[sflag:s31] =	ssyncadd.s32 $0xFFFFFFB0;
	s13 =	smov.u32 s11;
	s11 =	sadd.s32 $0x400, s11  }
0x157: {  	[tilespmem:s28], [sflag:$0x2] =	stream.indirect.gather [hbm4b:s5+s25], $0x80, s12, s25, $0xb8;
	[tilespmem:$0x1FD00] =	vst v63  }
0x158: {  	p0 =	sne.s32 s11, $0x8000;
	s12 =	sadd.s32 $0x2080, s9  }
0x159: {  	[tilespmem:s29], [sflag:$0x4] =	stream.indirect.gather [hbm4b:s6+s25], $0x1, s12, s25, $0xb8;
	[tilespmem:$0x1FD00] =	vst v63  }
0x15a: {  	_ = 	snop  }
0x15b: {  	[tilespmem:s30], [sflag:$0x4] =	stream.indirect.gather [hbm4b:s7+s25], $0x1, s12, s25, $0xb8;
	[tilespmem:$0x1FD00] =	vst v63  }
0x15c: {  	_ =	swait.ge [sflag:s21], $0x2800  }
0x15d: {  	[sflag:s21] =	ssyncset.done $0x0  }
0x15e: {  	s14 =	sadd.s32 $0x2000, s9;
	[sflag:s21] =	ssyncadd.s32 $0xFFFFD800  }
0x15f: {  	[spmem:s2] =	stream.indirect.scatter.add.f32 [tilespmem:s18], [sflag:$0x5], $0x80, s14, s25, $0xb8;
	[tilespmem:$0x1FD00] =	vst v63  }
0x160: {  	_ =	swait.ge [sflag:s31], $0x2800  }
0x161: {  	[sflag:s31] =	ssyncset.done $0x0  }
0x162: {  	[sflag:s31] =	ssyncadd.s32 $0xFFFFD800  }
0x163: {  	_ =	swait.ge [sflag:s23], $0x50  }
0x164: {  	[sflag:s23] =	ssyncset.done $0x0  }
0x165: {  	[sflag:s23] =	ssyncadd.s32 $0xFFFFFFB0  }
0x166: {  	_ =	swait.ge [sflag:s23], $0x50  }
0x167: {  	[sflag:s23] =	ssyncset.done $0x0  }
0x168: {  	[sflag:s23] =	ssyncadd.s32 $0xFFFFFFB0  }
0x169: {  	v1 =	vld [tilespmem:s9+$0x0]  }
0x16a: {  	v2 =	vld [tilespmem:$0x9100];
	_ =	sdelay $0x3  }
0x16b: {  	v1 =	vshll.u32 v1, $0x4  }
0x16c: {  	v1 =	vadd.s32 v2, v1  }
0x16d: {  	[tilespmem:$0x9200] =	vst v1  }
0x16e: {  	v1 =	vld [tilespmem:s9+$0x10]  }
0x16f: {  	v2 =	vld [tilespmem:$0x9110];
	_ =	sdelay $0x3  }
0x170: {  	v1 =	vshll.u32 v1, $0x4  }
0x171: {  	v1 =	vadd.s32 v2, v1  }
0x172: {  	[tilespmem:$0x9210] =	vst v1  }
0x173: {  	v1 =	vld [tilespmem:s9+$0x20]  }
0x174: {  	v2 =	vld [tilespmem:$0x9120];
	_ =	sdelay $0x3  }
0x175: {  	v1 =	vshll.u32 v1, $0x4  }
0x176: {  	v1 =	vadd.s32 v2, v1  }
0x177: {  	[tilespmem:$0x9220] =	vst v1  }
0x178: {  	v1 =	vld [tilespmem:s9+$0x30]  }
0x179: {  	v2 =	vld [tilespmem:$0x9130];
	_ =	sdelay $0x3  }
0x17a: {  	v1 =	vshll.u32 v1, $0x4  }
0x17b: {  	v1 =	vadd.s32 v2, v1  }
0x17c: {  	[tilespmem:$0x9230] =	vst v1  }
0x17d: {  	v1 =	vld [tilespmem:s9+$0x40]  }
0x17e: {  	v2 =	vld [tilespmem:$0x9140];
	_ =	sdelay $0x3  }
0x17f: {  	v1 =	vshll.u32 v1, $0x4  }
0x180: {  	v1 =	vadd.s32 v2, v1  }
0x181: {  	[tilespmem:$0x9240] =	vst v1  }
0x182: {  	[spmem:s3] =	stream.indirect.scatter.add.f32 [tilespmem:s26], [sflag:$0x5], $0x1, s0, s25, $0xb8;
	[tilespmem:$0x1FD00] =	vst v63  }
0x183: {  	p1 =	seq.s32 s10, $0x7C00;
	_ =	swait.ge [sflag:s31], $0x50  }
0x184: {  	s10 =	sshra.s32 @!p1 s10, $0x2;
	s14 =	simm.s32 @!p1 $0x4000;
	[sflag:s31] =	ssyncset.done $0x0  }
0x185: {  	s17 =	simm.s32 @!p1 $0x50;
	s15 =	sadd.s32 @!p1 $0x100, s10;
	[sflag:s31] =	ssyncadd.s32 $0xFFFFFFB0  }
0x186: {  	[tilespmem:s14], [sflag:$0x1] =	stream.indirect.gather @!p1 [hbm4b:s5+s17], $0x80, s15, s17, $0xb8;
	[tilespmem:$0x1FD00] =	vst v63  }
0x187: {  	s14 =	sadd.s32 @!p1 $0x2100, s10;
	s15 =	simm.s32 @!p1 $0x9000;
	s10 =	smov.u32 s13  }
0x188: {  	[tilespmem:s15], [sflag:$0x3] =	stream.indirect.gather @!p1 [hbm4b:s6+s17], $0x1, s14, s17, $0xb8;
	[tilespmem:$0x1FD00] =	vst v63  }
0x189: {  	s13 =	simm.s32 @!p1 $0x9100  }
0x18a: {  	[tilespmem:s13], [sflag:$0x3] =	stream.indirect.gather @!p1 [hbm4b:s7+s17], $0x1, s14, s17, $0xb8;
	[tilespmem:$0x1FD00] =	vst v63  }
0x18b: {  	_ =	swait.ge [sflag:s22], $0x2800  }
0x18c: {  	[sflag:s22] =	ssyncset.done $0x0  }
0x18d: {  	[sflag:s22] =	ssyncadd.s32 $0xFFFFD800  }
0x18e: {  	[spmem:s2] =	stream.indirect.scatter.add.f32 [tilespmem:s28], [sflag:$0x5], $0x80, s12, s25, $0xb8;
	[tilespmem:$0x1FD00] =	vst v63  }
0x18f: {  	_ =	swait.ge [sflag:s31], $0x2800  }
0x190: {  	[sflag:s31] =	ssyncset.done $0x0  }
0x191: {  	[sflag:s31] =	ssyncadd.s32 $0xFFFFD800  }
0x192: {  	_ =	swait.ge [sflag:s24], $0x50  }
0x193: {  	[sflag:s24] =	ssyncset.done $0x0  }
0x194: {  	[sflag:s24] =	ssyncadd.s32 $0xFFFFFFB0  }
0x195: {  	_ =	swait.ge [sflag:s24], $0x50  }
0x196: {  	[sflag:s24] =	ssyncset.done $0x0  }
0x197: {  	[sflag:s24] =	ssyncadd.s32 $0xFFFFFFB0  }
0x198: {  	v1 =	vld [tilespmem:s9+$0x80]  }
0x199: {  	v2 =	vld [tilespmem:$0x9180];
	_ =	sdelay $0x3  }
0x19a: {  	v1 =	vshll.u32 v1, $0x4  }
0x19b: {  	v1 =	vadd.s32 v2, v1  }
0x19c: {  	[tilespmem:$0x9280] =	vst v1  }
0x19d: {  	v1 =	vld [tilespmem:s9+$0x90]  }
0x19e: {  	v2 =	vld [tilespmem:$0x9190];
	_ =	sdelay $0x3  }
0x19f: {  	v1 =	vshll.u32 v1, $0x4  }
0x1a0: {  	v1 =	vadd.s32 v2, v1  }
0x1a1: {  	[tilespmem:$0x9290] =	vst v1  }
0x1a2: {  	v1 =	vld [tilespmem:s9+$0xA0]  }
0x1a3: {  	v2 =	vld [tilespmem:$0x91A0];
	_ =	sdelay $0x3  }
0x1a4: {  	v1 =	vshll.u32 v1, $0x4  }
0x1a5: {  	v1 =	vadd.s32 v2, v1  }
0x1a6: {  	[tilespmem:$0x92A0] =	vst v1  }
0x1a7: {  	v1 =	vld [tilespmem:s9+$0xB0]  }
0x1a8: {  	v2 =	vld [tilespmem:$0x91B0];
	_ =	sdelay $0x3  }
0x1a9: {  	v1 =	vshll.u32 v1, $0x4  }
0x1aa: {  	v1 =	vadd.s32 v2, v1  }
0x1ab: {  	[tilespmem:$0x92B0] =	vst v1  }
0x1ac: {  	v1 =	vld [tilespmem:s9+$0xC0]  }
0x1ad: {  	v2 =	vld [tilespmem:$0x91C0];
	_ =	sdelay $0x3  }
0x1ae: {  	v1 =	vshll.u32 v1, $0x4  }
.Ltmp1:
0x1af: {  	v1 =	vadd.s32 v2, v1;
	(pc) =	sbr.rel @p0 .LBB2_4-.Ltmp1, $4  }
0x1b0: {  	[tilespmem:$0x92C0] =	vst v1  }
0x1b1: {  	[spmem:s3] =	stream.indirect.scatter.add.f32 [tilespmem:s29], [sflag:$0x5], $0x1, s1, s25, $0xb8;
	[tilespmem:$0x1FD00] =	vst v63  }
0x1b2: {  	_ =	swait.ge [sflag:s31], $0x50  }
0x1b3: {  	s9 =	sshra.s32 s10, $0x2;
	[sflag:s31] =	ssyncset.done $0x0  }
0x1b4: {  	s11 =	sadd.s32 $0x80, s9;
	[sflag:s31] =	ssyncadd.s32 $0xFFFFFFB0  }
0x1b5: {  	[tilespmem:s28], [sflag:$0x2] =	stream.indirect.gather [hbm4b:s5+s25], $0x80, s11, s25, $0xb8;
	[tilespmem:$0x1FD00] =	vst v63  }
0x1b6: {  	s17 =	sadd.s32 $0x2080, s9  }
0x1b7: {  	[tilespmem:s29], [sflag:$0x4] =	stream.indirect.gather [hbm4b:s6+s25], $0x1, s17, s25, $0xb8;
	[tilespmem:$0x1FD00] =	vst v63  }
0x1b8: {  	_ = 	snop  }
0x1b9: {  	[tilespmem:s30], [sflag:$0x4] =	stream.indirect.gather [hbm4b:s7+s25], $0x1, s17, s25, $0xb8;
	[tilespmem:$0x1FD00] =	vst v63  }
0x1ba: {  	_ =	swait.ge [sflag:s21], $0x2800  }
0x1bb: {  	[sflag:s21] =	ssyncset.done $0x0  }
0x1bc: {  	s12 =	sadd.s32 $0x2000, s9;
	[sflag:s21] =	ssyncadd.s32 $0xFFFFD800  }
0x1bd: {  	[spmem:s2] =	stream.indirect.scatter.add.f32 [tilespmem:s18], [sflag:$0x5], $0x80, s12, s25, $0xb8;
	[tilespmem:$0x1FD00] =	vst v63  }
0x1be: {  	_ =	swait.ge [sflag:s31], $0x2800  }
0x1bf: {  	[sflag:s31] =	ssyncset.done $0x0  }
0x1c0: {  	[sflag:s31] =	ssyncadd.s32 $0xFFFFD800  }
0x1c1: {  	_ =	swait.ge [sflag:s23], $0x50  }
0x1c2: {  	[sflag:s23] =	ssyncset.done $0x0  }
0x1c3: {  	[sflag:s23] =	ssyncadd.s32 $0xFFFFFFB0  }
0x1c4: {  	_ =	swait.ge [sflag:s23], $0x50  }
0x1c5: {  	[sflag:s23] =	ssyncset.done $0x0  }
0x1c6: {  	[sflag:s23] =	ssyncadd.s32 $0xFFFFFFB0  }
0x1c7: {  	v1 =	vld [tilespmem:s9+$0x0]  }
0x1c8: {  	v2 =	vld [tilespmem:$0x9100];
	_ =	sdelay $0x3  }
0x1c9: {  	v1 =	vshll.u32 v1, $0x4  }
0x1ca: {  	v1 =	vadd.s32 v2, v1  }
0x1cb: {  	[tilespmem:$0x9200] =	vst v1  }
0x1cc: {  	v1 =	vld [tilespmem:s9+$0x10]  }
0x1cd: {  	v2 =	vld [tilespmem:$0x9110];
	_ =	sdelay $0x3  }
0x1ce: {  	v1 =	vshll.u32 v1, $0x4  }
0x1cf: {  	v1 =	vadd.s32 v2, v1  }
0x1d0: {  	[tilespmem:$0x9210] =	vst v1  }
0x1d1: {  	v1 =	vld [tilespmem:s9+$0x20]  }
0x1d2: {  	v2 =	vld [tilespmem:$0x9120];
	_ =	sdelay $0x3  }
0x1d3: {  	v1 =	vshll.u32 v1, $0x4  }
0x1d4: {  	v1 =	vadd.s32 v2, v1  }
0x1d5: {  	[tilespmem:$0x9220] =	vst v1  }
0x1d6: {  	v1 =	vld [tilespmem:s9+$0x30]  }
0x1d7: {  	v2 =	vld [tilespmem:$0x9130];
	_ =	sdelay $0x3  }
0x1d8: {  	v1 =	vshll.u32 v1, $0x4  }
0x1d9: {  	v1 =	vadd.s32 v2, v1  }
0x1da: {  	[tilespmem:$0x9230] =	vst v1  }
0x1db: {  	v1 =	vld [tilespmem:s9+$0x40]  }
0x1dc: {  	v2 =	vld [tilespmem:$0x9140];
	_ =	sdelay $0x3  }
0x1dd: {  	v1 =	vshll.u32 v1, $0x4  }
0x1de: {  	v1 =	vadd.s32 v2, v1  }
0x1df: {  	[tilespmem:$0x9240] =	vst v1  }
0x1e0: {  	[spmem:s3] =	stream.indirect.scatter.add.f32 [tilespmem:s26], [sflag:$0x5], $0x1, s0, s25, $0xb8;
	[tilespmem:$0x1FD00] =	vst v63  }
0x1e1: {  	p0 =	seq.s32 s10, $0x7C00;
	_ =	swait.ge [sflag:s31], $0x50  }
0x1e2: {  	s10 =	sshra.s32 @!p0 s10, $0x2;
	s14 =	simm.s32 @!p0 $0x50;
	[sflag:s31] =	ssyncset.done $0x0  }
0x1e3: {  	s13 =	sadd.s32 @!p0 $0x100, s10;
	s12 =	simm.s32 @!p0 $0x4000;
	[sflag:s31] =	ssyncadd.s32 $0xFFFFFFB0  }
0x1e4: {  	[tilespmem:s12], [sflag:$0x1] =	stream.indirect.gather @!p0 [hbm4b:s5+s14], $0x80, s13, s14, $0xb8;
	[tilespmem:$0x1FD00] =	vst v63  }
0x1e5: {  	s10 =	sadd.s32 @!p0 $0x2100, s10;
	s12 =	simm.s32 @!p0 $0x9000  }
0x1e6: {  	[tilespmem:s12], [sflag:$0x3] =	stream.indirect.gather @!p0 [hbm4b:s6+s14], $0x1, s10, s14, $0xb8;
	[tilespmem:$0x1FD00] =	vst v63  }
0x1e7: {  	s12 =	simm.s32 @!p0 $0x9100  }
0x1e8: {  	[tilespmem:s12], [sflag:$0x3] =	stream.indirect.gather @!p0 [hbm4b:s7+s14], $0x1, s10, s14, $0xb8;
	[tilespmem:$0x1FD00] =	vst v63  }
0x1e9: {  	_ =	swait.ge [sflag:s22], $0x2800  }
0x1ea: {  	[sflag:s22] =	ssyncset.done $0x0  }
0x1eb: {  	[sflag:s22] =	ssyncadd.s32 $0xFFFFD800  }
0x1ec: {  	[spmem:s2] =	stream.indirect.scatter.add.f32 [tilespmem:s28], [sflag:$0x5], $0x80, s17, s25, $0xb8;
	[tilespmem:$0x1FD00] =	vst v63  }
0x1ed: {  	_ =	swait.ge [sflag:s31], $0x2800  }
0x1ee: {  	[sflag:s31] =	ssyncset.done $0x0  }
0x1ef: {  	[sflag:s31] =	ssyncadd.s32 $0xFFFFD800  }
0x1f0: {  	_ =	swait.ge [sflag:s24], $0x50  }
0x1f1: {  	[sflag:s24] =	ssyncset.done $0x0  }
0x1f2: {  	[sflag:s24] =	ssyncadd.s32 $0xFFFFFFB0  }
0x1f3: {  	_ =	swait.ge [sflag:s24], $0x50  }
0x1f4: {  	[sflag:s24] =	ssyncset.done $0x0  }
0x1f5: {  	[sflag:s24] =	ssyncadd.s32 $0xFFFFFFB0  }
0x1f6: {  	v1 =	vld [tilespmem:s9+$0x80]  }
0x1f7: {  	v2 =	vld [tilespmem:$0x9180];
	_ =	sdelay $0x3  }
0x1f8: {  	v1 =	vshll.u32 v1, $0x4  }
0x1f9: {  	v1 =	vadd.s32 v2, v1  }
0x1fa: {  	[tilespmem:$0x9280] =	vst v1  }
0x1fb: {  	v1 =	vld [tilespmem:s9+$0x90]  }
0x1fc: {  	v2 =	vld [tilespmem:$0x9190];
	_ =	sdelay $0x3  }
0x1fd: {  	v1 =	vshll.u32 v1, $0x4  }
0x1fe: {  	v1 =	vadd.s32 v2, v1  }
0x1ff: {  	[tilespmem:$0x9290] =	vst v1  }
0x200: {  	v1 =	vld [tilespmem:s9+$0xA0]  }
0x201: {  	v2 =	vld [tilespmem:$0x91A0];
	_ =	sdelay $0x3  }
0x202: {  	v1 =	vshll.u32 v1, $0x4  }
0x203: {  	v1 =	vadd.s32 v2, v1  }
0x204: {  	[tilespmem:$0x92A0] =	vst v1  }
0x205: {  	v1 =	vld [tilespmem:s9+$0xB0]  }
0x206: {  	v2 =	vld [tilespmem:$0x91B0];
	_ =	sdelay $0x3  }
0x207: {  	v1 =	vshll.u32 v1, $0x4  }
0x208: {  	v1 =	vadd.s32 v2, v1  }
0x209: {  	[tilespmem:$0x92B0] =	vst v1  }
0x20a: {  	v1 =	vld [tilespmem:s9+$0xC0]  }
0x20b: {  	v2 =	vld [tilespmem:$0x91C0];
	_ =	sdelay $0x3  }
0x20c: {  	v1 =	vshll.u32 v1, $0x4  }
0x20d: {  	v1 =	vadd.s32 v2, v1  }
0x20e: {  	[tilespmem:$0x92C0] =	vst v1  }
0x20f: {  	[spmem:s3] =	stream.indirect.scatter.add.f32 [tilespmem:s29], [sflag:$0x5], $0x1, s1, s25, $0xb8;
	[tilespmem:$0x1FD00] =	vst v63  }
0x210: {  	_ =	swait.ge [sflag:s31], $0x50  }
0x211: {  	[sflag:s31] =	ssyncset.done $0x0  }
0x212: {  	s15 =	sshrl.u32 s8, $0x3;
	s13 =	stileid.u32;
	[sflag:s31] =	ssyncadd.s32 $0xFFFFFFB0  }
0x213: {  	s9 =	sshll.u32 s13, $0x6;
	s13 =	sshrl.u32 s16, $0x3;
	[bflag:$0x0] =	sbarrier.arrive $0xFFFF  }
0x214: {  	s14 =	sor.u32 $0x1C01, s9;
	s9 =	sor.u32 $0x1C02, s9;
	s17 =	rddreg [dreg:$0x11]  }
0x215: {  	[hbm:s17], [sflag:s14] =	dma.local [spmem:s15], $0x2800  }
0x216: {  	s14 =	simm.s32 $0x20;
	s15 =	simm.s32 $0x10;
	s11 =	rddreg [dreg:$0x12]  }
0x217: {  	[hbm:s11@s14], [sflag:s9] =	dma.strided [spmem:s13@s15], $0x500, s21, $0x10   }
0x218: {  	_ =	swait.ge [sflag:s21], $0x2800  }
0x219: {  	[sflag:s21] =	ssyncset.done $0x0  }
0x21a: {  	[sflag:s21] =	ssyncadd.s32 $0xFFFFD800  }
0x21b: {  	_ =	swait.ge [sflag:s22], $0x500  }
0x21c: {  	s4 =	sadd.s32 $0x1, s4;
	s17 =	rddreg [dreg:$0x13]  }
0x21d: {  	p0 =	sne.s32 s4, s17  }
.Ltmp2:
0x21e: {  	_ = 	snop;
	(pc) =	sbr.rel @p0 .LBB2_1-.Ltmp2, $3  }
0x21f: {  	_ =	sdelay $0x1  }
0x220: {  	[sflag:s22] =	ssyncset.done $0x0  }
0x221: {  	[sflag:s22] =	ssyncadd.s32 $0xFFFFFB00  }
0x222: {  	_ =	sfence.sel $0x180000  }
0x223: {  	[bflag:$0x0] =	sbarrier.arrive $0xFFFF  }
0x224: {  	_ =	strace $0x9000004A  }
0x225: {  	s0 =	stileid.u32;
	[bflag:$0x2] =	sbarrier.arrive $0xFFFF  }
0x226: {  	p0 =	sne.s32 s0, $0x0;
	s0 =	rddreg [dreg:$0x3]  }
0x227: {  	s0 =	sadd.s32 @!p0 $0x100000, s0  }
0x228: {  	[sflag:s0] =	ssyncadd.tile.s32 @!p0 $0x1;
	_ =	shalt  }
.Lfunc_end2:
_tile_overlayer_lowered:
.L_overlay_start_2:
0x229: {  	(tag) =	ssettag $0x2  }
0x22a: {  	s0 =	rddreg [dreg:$0x0];
	s2 =	stileid.u32  }
0x22b: {  	s1 =	rddreg [dreg:$0x1];
	p0 =	sne.s32 s2, $0x0  }
0x22c: {  	s3 =	rddreg [dreg:$0x2];
	[bflag:$0x3] =	sbarrier.arrive $0xFFFF;
	s2 =	simm.s32 @!p0 $0x1C05  }
0x22d: {  	[timem:s3], [sflag:s2] =	dma.local @!p0 [hbm:s0], s1  }
0x22e: {  	s0 =	simm.s32 @!p0 $0x5  }
0x22f: {  	_ =	swait.ge @!p0 [sflag:s0], s1  }
0x230: {  	s1 =	ssub.s32 @!p0 $0x0, s1;
	[sflag:s0] =	ssyncset.done @!p0 $0x0  }
0x231: {  	[sflag:s0] =	ssyncadd.s32 @!p0 s1  }
0x232: {  	[bflag:$0x3] =	sbarrier.arrive $0xFFFF  }
0x233: {  	_ =	shalt  }

</sc_bundles>
